<compile_context>
chip_gen: v7x
topology: tpu7x:2x2x1
jax: 0.10.2.dev20260603
libtpu: 0.0.44.dev20260713+nightly
codegen_flags: <defaults>
</compile_context>

<pallas_src>
import functools

import jax
import jax.numpy as jnp
from jax import lax
from jax.experimental import pallas as pl
from jax.experimental.pallas import tpu as pltpu
from jax.experimental.pallas import tpu_sc as plsc

NTOKEN = 100000
EMB_DIM = 64
OUT_DIM = 2 * EMB_DIM
BATCH = 4096
SEQ = 20
TOT = BATCH * SEQ

NUM_CORES = 2
NUM_SUBCORES = 16
NW = NUM_CORES * NUM_SUBCORES
BPW = TOT // NW
CHUNK = 320
NCHUNK = BPW // CHUNK


@functools.partial(
    pl.kernel,
    mesh=plsc.VectorSubcoreMesh(core_axis_name="c", subcore_axis_name="s"),
    out_type=jax.ShapeDtypeStruct((TOT, OUT_DIM), jnp.float32),
    scratch_types=[
        pltpu.VMEM((BPW,), jnp.int32),
        pltpu.VMEM((CHUNK, EMB_DIM), jnp.float32),
        pltpu.VMEM((CHUNK, EMB_DIM), jnp.float32),
        pltpu.VMEM((CHUNK, EMB_DIM), jnp.float32),
        pltpu.VMEM((CHUNK, EMB_DIM), jnp.float32),
        pltpu.SemaphoreType.DMA,
        pltpu.SemaphoreType.DMA,
        pltpu.SemaphoreType.DMA,
        pltpu.SemaphoreType.DMA,
    ],
    compiler_params=pltpu.CompilerParams(use_tc_tiling_on_sc=False),
)
def _emb_lookup(emb_hbm, embc_hbm, x_hbm, out_hbm, idx_v, ra0, rb0, ra1, rb1,
                sg0, sg1, sw0, sw1):
    wid = lax.axis_index("s") * NUM_CORES + lax.axis_index("c")
    pltpu.sync_copy(x_hbm.at[wid], idx_v)
    ra = (ra0, ra1)
    rb = (rb0, rb1)
    sg = (sg0, sg1)
    sw = (sw0, sw1)
    gathers = [None, None]
    writes = [None, None]
    idx0 = idx_v.at[pl.ds(0, CHUNK)]
    gathers[0] = (pltpu.async_copy(emb_hbm.at[idx0], ra[0], sg[0]),
                  pltpu.async_copy(embc_hbm.at[idx0], rb[0], sg[0]))
    for j in range(NCHUNK):
        cur = j % 2
        nxt = (j + 1) % 2
        if j + 1 < NCHUNK:
            if writes[nxt] is not None:
                for w in writes[nxt]:
                    w.wait()
            idx_n = idx_v.at[pl.ds((j + 1) * CHUNK, CHUNK)]
            gathers[nxt] = (
                pltpu.async_copy(emb_hbm.at[idx_n], ra[nxt], sg[nxt]),
                pltpu.async_copy(embc_hbm.at[idx_n], rb[nxt], sg[nxt]),
            )
        for g in gathers[cur]:
            g.wait()
        base = wid * BPW + j * CHUNK
        writes[cur] = (
            pltpu.async_copy(
                ra[cur], out_hbm.at[pl.ds(base, CHUNK), pl.ds(0, EMB_DIM)],
                sw[cur]),
            pltpu.async_copy(
                rb[cur], out_hbm.at[pl.ds(base, CHUNK), pl.ds(EMB_DIM, EMB_DIM)],
                sw[cur]),
        )
    for ws in writes:
        if ws is not None:
            for w in ws:
                w.wait()


def kernel(x, emb_w, embc_w):
    xt = x.T.reshape(NW, BPW)
    out = _emb_lookup(emb_w, embc_w, xt)
    out = out.reshape(SEQ, BATCH, OUT_DIM)
    return out.transpose(1, 0, 2)

# --- scband reference (transcript-rebuilt; emitter-appended) ---
"""Pipeline reference for scband-word-embedding-70514773066030 (READ-ONLY COPY).

The authoritative reference and input builder live on the scoring server;
editing this copy changes nothing except your own understanding.
"""

import jax, jax.numpy as jnp
import numpy as np

NTOKEN = 100000
EMB_DIM = 64
BATCH = 4096
SEQ = 20


def setup_inputs(seed: int = 0) -> dict:
    key = jax.random.key(seed)
    k_x, k_w1, k_w2 = jax.random.split(key, 3)
    x = jax.random.randint(k_x, (BATCH, SEQ), 0, NTOKEN, dtype=jnp.int64 if jax.config.jax_enable_x64 else jnp.int32).astype(jnp.int32)
    emb_w = jax.random.normal(k_w1, (NTOKEN, EMB_DIM), dtype=jnp.float32)
    embc_w = jax.random.normal(k_w2, (NTOKEN, EMB_DIM), dtype=jnp.float32)
    return {"x": x, "emb_w": emb_w, "embc_w": embc_w}


def reference(x, emb_w, embc_w):
    # emb = self.emb(x)
    emb = jnp.take(emb_w, x, axis=0)  # [B, S, D]
    # cat=True: emb = torch.cat((emb, self.emb_(x)), 2)
    emb_cat = jnp.take(embc_w, x, axis=0)  # [B, S, D]
    out = jnp.concatenate((emb, emb_cat), axis=2)  # [B, S, 2D]
    # dropout p=0.0 -> identity (eval / p=0)
    return out

if __name__ == "__main__":
    import jax
    _d = setup_inputs()
    print(jax.jit(kernel)(*tuple(_d.values())))

</pallas_src>

<mosaic_0001>
#map = affine_map<(d0, d1) -> (0, 0)>
module attributes {stable_mosaic.version = 14 : i64} {
  func.func @_emb_lookup(%arg0: i32, %arg1: i32, %arg2: memref<100000x64xf32, #tpu.memory_space<hbm>>, %arg3: memref<100000x64xf32, #tpu.memory_space<hbm>>, %arg4: memref<32x2560xi32, #tpu.memory_space<hbm>>, %arg5: memref<81920x128xf32, #tpu.memory_space<hbm>>, %arg6: memref<2560xi32, #tpu.memory_space<vmem>>, %arg7: memref<320x64xf32, #tpu.memory_space<vmem>>, %arg8: memref<320x64xf32, #tpu.memory_space<vmem>>, %arg9: memref<320x64xf32, #tpu.memory_space<vmem>>, %arg10: memref<320x64xf32, #tpu.memory_space<vmem>>, %arg11: memref<!tpu.dma_semaphore, #tpu.memory_space<semaphore_mem>>, %arg12: memref<!tpu.dma_semaphore, #tpu.memory_space<semaphore_mem>>, %arg13: memref<!tpu.dma_semaphore, #tpu.memory_space<semaphore_mem>>, %arg14: memref<!tpu.dma_semaphore, #tpu.memory_space<semaphore_mem>>) attributes {dimension_semantics = [#tpu.dimension_semantics<core_parallel>, #tpu.dimension_semantics<subcore_parallel>], iteration_bounds = array<i64: 2, 16>, scalar_prefetch = 0 : i64, scratch_operands = 9 : i64, tpu.core_type = #tpu.core_type<sc_vector_subcore>, window_params = [{transform_indices = #map}, {transform_indices = #map}, {transform_indices = #map}, {transform_indices = #map}]} {
    %mul3A = arith.constant 2 : i32
    %mul3A_0 = arith.muli %arg1, %mul3A : i32
    %add3A = arith.addi %mul3A_0, %arg0 : i32
    "tpu.region"() ({
      %run_scoped3A = tpu.sem_alloc : memref<!tpu.dma_semaphore, #tpu.memory_space<semaphore_mem>>
      %dma_start3A_319 = arith.constant 0 : i32
      %dma_start3A_320 = tpu.memref_slice %arg4[%add3A, %dma_start3A_319] : memref<32x2560xi32, #tpu.memory_space<hbm>> -> memref<1x2560xi32, #tpu.memory_space<hbm>>
      %dma_start3A_321 = tpu.memref_squeeze %dma_start3A_320 : memref<1x2560xi32, #tpu.memory_space<hbm>> -> memref<2560xi32, #tpu.memory_space<hbm>>
      %dma_start3A_322 = arith.constant 0 : i32
      %dma_start3A_323 = tpu.memref_slice %arg4[%add3A, %dma_start3A_322] : memref<32x2560xi32, #tpu.memory_space<hbm>> -> memref<1x2560xi32, #tpu.memory_space<hbm>>
      %dma_start3A_324 = tpu.memref_squeeze %dma_start3A_323 : memref<1x2560xi32, #tpu.memory_space<hbm>> -> memref<2560xi32, #tpu.memory_space<hbm>>
      tpu.enqueue_dma source(%dma_start3A_324 : memref<2560xi32, #tpu.memory_space<hbm>>) target(%arg6 : memref<2560xi32, #tpu.memory_space<vmem>>) target_semaphore(%run_scoped3A : memref<!tpu.dma_semaphore, #tpu.memory_space<semaphore_mem>>)
      %dma_wait3A_325 = arith.constant 0 : i32
      %dma_wait3A_326 = tpu.memref_slice %arg4[%add3A, %dma_wait3A_325] : memref<32x2560xi32, #tpu.memory_space<hbm>> -> memref<1x2560xi32, #tpu.memory_space<hbm>>
      %dma_wait3A_327 = tpu.memref_squeeze %dma_wait3A_326 : memref<1x2560xi32, #tpu.memory_space<hbm>> -> memref<2560xi32, #tpu.memory_space<hbm>>
      %dma_wait3A_328 = arith.constant 0 : i32
      %dma_wait3A_329 = tpu.memref_slice %arg4[%add3A, %dma_wait3A_328] : memref<32x2560xi32, #tpu.memory_space<hbm>> -> memref<1x2560xi32, #tpu.memory_space<hbm>>
      %dma_wait3A_330 = tpu.memref_squeeze %dma_wait3A_329 : memref<1x2560xi32, #tpu.memory_space<hbm>> -> memref<2560xi32, #tpu.memory_space<hbm>>
      tpu.wait_dma2 semaphore(%run_scoped3A : memref<!tpu.dma_semaphore, #tpu.memory_space<semaphore_mem>>) src(%dma_wait3A_330 : memref<2560xi32, #tpu.memory_space<hbm>>) dst(%arg6 : memref<2560xi32, #tpu.memory_space<vmem>>)
      tpu.yield
    }) : () -> ()
    %dma_start3A = arith.constant 0 : i32
    %dma_start3A_1 = tpu.memref_slice %arg6[%dma_start3A] : memref<2560xi32, #tpu.memory_space<vmem>> -> memref<320xi32, #tpu.memory_space<vmem>>
    %dma_start3A_2 = arith.constant 0 : i32
    %dma_start3A_3 = arith.constant 0 : i32
    %dma_start3A_4 = tpu.memref_slice %arg2[%dma_start3A_2, %dma_start3A_3] : memref<100000x64xf32, #tpu.memory_space<hbm>> -> memref<100000x64xf32, #tpu.memory_space<hbm>>
    tpu.enqueue_indirect_dma source(%dma_start3A_4 : memref<100000x64xf32, #tpu.memory_space<hbm>>) target(%arg7 : memref<320x64xf32, #tpu.memory_space<vmem>>) offsets(%dma_start3A_1 : memref<320xi32, #tpu.memory_space<vmem>>) semaphore(%arg11 : memref<!tpu.dma_semaphore, #tpu.memory_space<semaphore_mem>>)
    %dma_start3A_5 = arith.constant 0 : i32
    %dma_start3A_6 = tpu.memref_slice %arg6[%dma_start3A_5] : memref<2560xi32, #tpu.memory_space<vmem>> -> memref<320xi32, #tpu.memory_space<vmem>>
    %dma_start3A_7 = arith.constant 0 : i32
    %dma_start3A_8 = arith.constant 0 : i32
    %dma_start3A_9 = tpu.memref_slice %arg3[%dma_start3A_7, %dma_start3A_8] : memref<100000x64xf32, #tpu.memory_space<hbm>> -> memref<100000x64xf32, #tpu.memory_space<hbm>>
    tpu.enqueue_indirect_dma source(%dma_start3A_9 : memref<100000x64xf32, #tpu.memory_space<hbm>>) target(%arg8 : memref<320x64xf32, #tpu.memory_space<vmem>>) offsets(%dma_start3A_6 : memref<320xi32, #tpu.memory_space<vmem>>) semaphore(%arg11 : memref<!tpu.dma_semaphore, #tpu.memory_space<semaphore_mem>>)
    %dma_start3A_10 = arith.constant 320 : i32
    %dma_start3A_11 = tpu.memref_slice %arg6[%dma_start3A_10] : memref<2560xi32, #tpu.memory_space<vmem>> -> memref<320xi32, #tpu.memory_space<vmem>>
    %dma_start3A_12 = arith.constant 0 : i32
    %dma_start3A_13 = arith.constant 0 : i32
    %dma_start3A_14 = tpu.memref_slice %arg2[%dma_start3A_12, %dma_start3A_13] : memref<100000x64xf32, #tpu.memory_space<hbm>> -> memref<100000x64xf32, #tpu.memory_space<hbm>>
    tpu.enqueue_indirect_dma source(%dma_start3A_14 : memref<100000x64xf32, #tpu.memory_space<hbm>>) target(%arg9 : memref<320x64xf32, #tpu.memory_space<vmem>>) offsets(%dma_start3A_11 : memref<320xi32, #tpu.memory_space<vmem>>) semaphore(%arg12 : memref<!tpu.dma_semaphore, #tpu.memory_space<semaphore_mem>>)
    %dma_start3A_15 = arith.constant 320 : i32
    %dma_start3A_16 = tpu.memref_slice %arg6[%dma_start3A_15] : memref<2560xi32, #tpu.memory_space<vmem>> -> memref<320xi32, #tpu.memory_space<vmem>>
    %dma_start3A_17 = arith.constant 0 : i32
    %dma_start3A_18 = arith.constant 0 : i32
    %dma_start3A_19 = tpu.memref_slice %arg3[%dma_start3A_17, %dma_start3A_18] : memref<100000x64xf32, #tpu.memory_space<hbm>> -> memref<100000x64xf32, #tpu.memory_space<hbm>>
    tpu.enqueue_indirect_dma source(%dma_start3A_19 : memref<100000x64xf32, #tpu.memory_space<hbm>>) target(%arg10 : memref<320x64xf32, #tpu.memory_space<vmem>>) offsets(%dma_start3A_16 : memref<320xi32, #tpu.memory_space<vmem>>) semaphore(%arg12 : memref<!tpu.dma_semaphore, #tpu.memory_space<semaphore_mem>>)
    %dma_wait3A = arith.constant 0 : i32
    %dma_wait3A_20 = tpu.memref_slice %arg6[%dma_wait3A] : memref<2560xi32, #tpu.memory_space<vmem>> -> memref<320xi32, #tpu.memory_space<vmem>>
    %dma_wait3A_21 = arith.constant 0 : i32
    %dma_wait3A_22 = arith.constant 0 : i32
    %dma_wait3A_23 = tpu.memref_slice %arg2[%dma_wait3A_21, %dma_wait3A_22] : memref<100000x64xf32, #tpu.memory_space<hbm>> -> memref<100000x64xf32, #tpu.memory_space<hbm>>
    tpu.wait_indirect_dma semaphore(%arg11 : memref<!tpu.dma_semaphore, #tpu.memory_space<semaphore_mem>>) src(%dma_wait3A_23 : memref<100000x64xf32, #tpu.memory_space<hbm>>) dst(%arg7 : memref<320x64xf32, #tpu.memory_space<vmem>>)
    %dma_wait3A_24 = arith.constant 0 : i32
    %dma_wait3A_25 = tpu.memref_slice %arg6[%dma_wait3A_24] : memref<2560xi32, #tpu.memory_space<vmem>> -> memref<320xi32, #tpu.memory_space<vmem>>
    %dma_wait3A_26 = arith.constant 0 : i32
    %dma_wait3A_27 = arith.constant 0 : i32
    %dma_wait3A_28 = tpu.memref_slice %arg3[%dma_wait3A_26, %dma_wait3A_27] : memref<100000x64xf32, #tpu.memory_space<hbm>> -> memref<100000x64xf32, #tpu.memory_space<hbm>>
    tpu.wait_indirect_dma semaphore(%arg11 : memref<!tpu.dma_semaphore, #tpu.memory_space<semaphore_mem>>) src(%dma_wait3A_28 : memref<100000x64xf32, #tpu.memory_space<hbm>>) dst(%arg8 : memref<320x64xf32, #tpu.memory_space<vmem>>)
    %mul3A_29 = arith.constant 2560 : i32
    %mul3A_30 = arith.muli %add3A, %mul3A_29 : i32
    %add3A_31 = arith.constant 0 : i32
    %add3A_32 = arith.addi %mul3A_30, %add3A_31 : i32
    %dma_start3A_33 = arith.constant 0 : i32
    %dma_start3A_34 = tpu.memref_slice %arg5[%add3A_32, %dma_start3A_33] : memref<81920x128xf32, #tpu.memory_space<hbm>> -> memref<320x64xf32, #tpu.memory_space<hbm>>
    %dma_start3A_35 = arith.constant 0 : i32
    %dma_start3A_36 = tpu.memref_slice %arg5[%add3A_32, %dma_start3A_35] : memref<81920x128xf32, #tpu.memory_space<hbm>> -> memref<320x64xf32, #tpu.memory_space<hbm>>
    tpu.enqueue_dma source(%arg7 : memref<320x64xf32, #tpu.memory_space<vmem>>) target(%dma_start3A_36 : memref<320x64xf32, #tpu.memory_space<hbm>>) target_semaphore(%arg13 : memref<!tpu.dma_semaphore, #tpu.memory_space<semaphore_mem>>)
    %dma_start3A_37 = arith.constant 64 : i32
    %dma_start3A_38 = tpu.memref_slice %arg5[%add3A_32, %dma_start3A_37] : memref<81920x128xf32, #tpu.memory_space<hbm>> -> memref<320x64xf32, #tpu.memory_space<hbm>>
    %dma_start3A_39 = arith.constant 64 : i32
    %dma_start3A_40 = tpu.memref_slice %arg5[%add3A_32, %dma_start3A_39] : memref<81920x128xf32, #tpu.memory_space<hbm>> -> memref<320x64xf32, #tpu.memory_space<hbm>>
    tpu.enqueue_dma source(%arg8 : memref<320x64xf32, #tpu.memory_space<vmem>>) target(%dma_start3A_40 : memref<320x64xf32, #tpu.memory_space<hbm>>) target_semaphore(%arg13 : memref<!tpu.dma_semaphore, #tpu.memory_space<semaphore_mem>>)
    %dma_wait3A_41 = arith.constant 0 : i32
    %dma_wait3A_42 = tpu.memref_slice %arg5[%add3A_32, %dma_wait3A_41] : memref<81920x128xf32, #tpu.memory_space<hbm>> -> memref<320x64xf32, #tpu.memory_space<hbm>>
    %dma_wait3A_43 = arith.constant 0 : i32
    %dma_wait3A_44 = tpu.memref_slice %arg5[%add3A_32, %dma_wait3A_43] : memref<81920x128xf32, #tpu.memory_space<hbm>> -> memref<320x64xf32, #tpu.memory_space<hbm>>
    tpu.wait_dma2 semaphore(%arg13 : memref<!tpu.dma_semaphore, #tpu.memory_space<semaphore_mem>>) src(%arg7 : memref<320x64xf32, #tpu.memory_space<vmem>>) dst(%dma_wait3A_44 : memref<320x64xf32, #tpu.memory_space<hbm>>)
    %dma_wait3A_45 = arith.constant 64 : i32
    %dma_wait3A_46 = tpu.memref_slice %arg5[%add3A_32, %dma_wait3A_45] : memref<81920x128xf32, #tpu.memory_space<hbm>> -> memref<320x64xf32, #tpu.memory_space<hbm>>
    %dma_wait3A_47 = arith.constant 64 : i32
    %dma_wait3A_48 = tpu.memref_slice %arg5[%add3A_32, %dma_wait3A_47] : memref<81920x128xf32, #tpu.memory_space<hbm>> -> memref<320x64xf32, #tpu.memory_space<hbm>>
    tpu.wait_dma2 semaphore(%arg13 : memref<!tpu.dma_semaphore, #tpu.memory_space<semaphore_mem>>) src(%arg8 : memref<320x64xf32, #tpu.memory_space<vmem>>) dst(%dma_wait3A_48 : memref<320x64xf32, #tpu.memory_space<hbm>>)
    %dma_start3A_49 = arith.constant 640 : i32
    %dma_start3A_50 = tpu.memref_slice %arg6[%dma_start3A_49] : memref<2560xi32, #tpu.memory_space<vmem>> -> memref<320xi32, #tpu.memory_space<vmem>>
    %dma_start3A_51 = arith.constant 0 : i32
    %dma_start3A_52 = arith.constant 0 : i32
    %dma_start3A_53 = tpu.memref_slice %arg2[%dma_start3A_51, %dma_start3A_52] : memref<100000x64xf32, #tpu.memory_space<hbm>> -> memref<100000x64xf32, #tpu.memory_space<hbm>>
    tpu.enqueue_indirect_dma source(%dma_start3A_53 : memref<100000x64xf32, #tpu.memory_space<hbm>>) target(%arg7 : memref<320x64xf32, #tpu.memory_space<vmem>>) offsets(%dma_start3A_50 : memref<320xi32, #tpu.memory_space<vmem>>) semaphore(%arg11 : memref<!tpu.dma_semaphore, #tpu.memory_space<semaphore_mem>>)
    %dma_start3A_54 = arith.constant 640 : i32
    %dma_start3A_55 = tpu.memref_slice %arg6[%dma_start3A_54] : memref<2560xi32, #tpu.memory_space<vmem>> -> memref<320xi32, #tpu.memory_space<vmem>>
    %dma_start3A_56 = arith.constant 0 : i32
    %dma_start3A_57 = arith.constant 0 : i32
    %dma_start3A_58 = tpu.memref_slice %arg3[%dma_start3A_56, %dma_start3A_57] : memref<100000x64xf32, #tpu.memory_space<hbm>> -> memref<100000x64xf32, #tpu.memory_space<hbm>>
    tpu.enqueue_indirect_dma source(%dma_start3A_58 : memref<100000x64xf32, #tpu.memory_space<hbm>>) target(%arg8 : memref<320x64xf32, #tpu.memory_space<vmem>>) offsets(%dma_start3A_55 : memref<320xi32, #tpu.memory_space<vmem>>) semaphore(%arg11 : memref<!tpu.dma_semaphore, #tpu.memory_space<semaphore_mem>>)
    %dma_wait3A_59 = arith.constant 320 : i32
    %dma_wait3A_60 = tpu.memref_slice %arg6[%dma_wait3A_59] : memref<2560xi32, #tpu.memory_space<vmem>> -> memref<320xi32, #tpu.memory_space<vmem>>
    %dma_wait3A_61 = arith.constant 0 : i32
    %dma_wait3A_62 = arith.constant 0 : i32
    %dma_wait3A_63 = tpu.memref_slice %arg2[%dma_wait3A_61, %dma_wait3A_62] : memref<100000x64xf32, #tpu.memory_space<hbm>> -> memref<100000x64xf32, #tpu.memory_space<hbm>>
    tpu.wait_indirect_dma semaphore(%arg12 : memref<!tpu.dma_semaphore, #tpu.memory_space<semaphore_mem>>) src(%dma_wait3A_63 : memref<100000x64xf32, #tpu.memory_space<hbm>>) dst(%arg9 : memref<320x64xf32, #tpu.memory_space<vmem>>)
    %dma_wait3A_64 = arith.constant 320 : i32
    %dma_wait3A_65 = tpu.memref_slice %arg6[%dma_wait3A_64] : memref<2560xi32, #tpu.memory_space<vmem>> -> memref<320xi32, #tpu.memory_space<vmem>>
    %dma_wait3A_66 = arith.constant 0 : i32
    %dma_wait3A_67 = arith.constant 0 : i32
    %dma_wait3A_68 = tpu.memref_slice %arg3[%dma_wait3A_66, %dma_wait3A_67] : memref<100000x64xf32, #tpu.memory_space<hbm>> -> memref<100000x64xf32, #tpu.memory_space<hbm>>
    tpu.wait_indirect_dma semaphore(%arg12 : memref<!tpu.dma_semaphore, #tpu.memory_space<semaphore_mem>>) src(%dma_wait3A_68 : memref<100000x64xf32, #tpu.memory_space<hbm>>) dst(%arg10 : memref<320x64xf32, #tpu.memory_space<vmem>>)
    %mul3A_69 = arith.constant 2560 : i32
    %mul3A_70 = arith.muli %add3A, %mul3A_69 : i32
    %add3A_71 = arith.constant 320 : i32
    %add3A_72 = arith.addi %mul3A_70, %add3A_71 : i32
    %dma_start3A_73 = arith.constant 0 : i32
    %dma_start3A_74 = tpu.memref_slice %arg5[%add3A_72, %dma_start3A_73] : memref<81920x128xf32, #tpu.memory_space<hbm>> -> memref<320x64xf32, #tpu.memory_space<hbm>>
    %dma_start3A_75 = arith.constant 0 : i32
    %dma_start3A_76 = tpu.memref_slice %arg5[%add3A_72, %dma_start3A_75] : memref<81920x128xf32, #tpu.memory_space<hbm>> -> memref<320x64xf32, #tpu.memory_space<hbm>>
    tpu.enqueue_dma source(%arg9 : memref<320x64xf32, #tpu.memory_space<vmem>>) target(%dma_start3A_76 : memref<320x64xf32, #tpu.memory_space<hbm>>) target_semaphore(%arg14 : memref<!tpu.dma_semaphore, #tpu.memory_space<semaphore_mem>>)
    %dma_start3A_77 = arith.constant 64 : i32
    %dma_start3A_78 = tpu.memref_slice %arg5[%add3A_72, %dma_start3A_77] : memref<81920x128xf32, #tpu.memory_space<hbm>> -> memref<320x64xf32, #tpu.memory_space<hbm>>
    %dma_start3A_79 = arith.constant 64 : i32
    %dma_start3A_80 = tpu.memref_slice %arg5[%add3A_72, %dma_start3A_79] : memref<81920x128xf32, #tpu.memory_space<hbm>> -> memref<320x64xf32, #tpu.memory_space<hbm>>
    tpu.enqueue_dma source(%arg10 : memref<320x64xf32, #tpu.memory_space<vmem>>) target(%dma_start3A_80 : memref<320x64xf32, #tpu.memory_space<hbm>>) target_semaphore(%arg14 : memref<!tpu.dma_semaphore, #tpu.memory_space<semaphore_mem>>)
    %dma_wait3A_81 = arith.constant 0 : i32
    %dma_wait3A_82 = tpu.memref_slice %arg5[%add3A_72, %dma_wait3A_81] : memref<81920x128xf32, #tpu.memory_space<hbm>> -> memref<320x64xf32, #tpu.memory_space<hbm>>
    %dma_wait3A_83 = arith.constant 0 : i32
    %dma_wait3A_84 = tpu.memref_slice %arg5[%add3A_72, %dma_wait3A_83] : memref<81920x128xf32, #tpu.memory_space<hbm>> -> memref<320x64xf32, #tpu.memory_space<hbm>>
    tpu.wait_dma2 semaphore(%arg14 : memref<!tpu.dma_semaphore, #tpu.memory_space<semaphore_mem>>) src(%arg9 : memref<320x64xf32, #tpu.memory_space<vmem>>) dst(%dma_wait3A_84 : memref<320x64xf32, #tpu.memory_space<hbm>>)
    %dma_wait3A_85 = arith.constant 64 : i32
    %dma_wait3A_86 = tpu.memref_slice %arg5[%add3A_72, %dma_wait3A_85] : memref<81920x128xf32, #tpu.memory_space<hbm>> -> memref<320x64xf32, #tpu.memory_space<hbm>>
    %dma_wait3A_87 = arith.constant 64 : i32
    %dma_wait3A_88 = tpu.memref_slice %arg5[%add3A_72, %dma_wait3A_87] : memref<81920x128xf32, #tpu.memory_space<hbm>> -> memref<320x64xf32, #tpu.memory_space<hbm>>
    tpu.wait_dma2 semaphore(%arg14 : memref<!tpu.dma_semaphore, #tpu.memory_space<semaphore_mem>>) src(%arg10 : memref<320x64xf32, #tpu.memory_space<vmem>>) dst(%dma_wait3A_88 : memref<320x64xf32, #tpu.memory_space<hbm>>)
    %dma_start3A_89 = arith.constant 960 : i32
    %dma_start3A_90 = tpu.memref_slice %arg6[%dma_start3A_89] : memref<2560xi32, #tpu.memory_space<vmem>> -> memref<320xi32, #tpu.memory_space<vmem>>
    %dma_start3A_91 = arith.constant 0 : i32
    %dma_start3A_92 = arith.constant 0 : i32
    %dma_start3A_93 = tpu.memref_slice %arg2[%dma_start3A_91, %dma_start3A_92] : memref<100000x64xf32, #tpu.memory_space<hbm>> -> memref<100000x64xf32, #tpu.memory_space<hbm>>
    tpu.enqueue_indirect_dma source(%dma_start3A_93 : memref<100000x64xf32, #tpu.memory_space<hbm>>) target(%arg9 : memref<320x64xf32, #tpu.memory_space<vmem>>) offsets(%dma_start3A_90 : memref<320xi32, #tpu.memory_space<vmem>>) semaphore(%arg12 : memref<!tpu.dma_semaphore, #tpu.memory_space<semaphore_mem>>)
    %dma_start3A_94 = arith.constant 960 : i32
    %dma_start3A_95 = tpu.memref_slice %arg6[%dma_start3A_94] : memref<2560xi32, #tpu.memory_space<vmem>> -> memref<320xi32, #tpu.memory_space<vmem>>
    %dma_start3A_96 = arith.constant 0 : i32
    %dma_start3A_97 = arith.constant 0 : i32
    %dma_start3A_98 = tpu.memref_slice %arg3[%dma_start3A_96, %dma_start3A_97] : memref<100000x64xf32, #tpu.memory_space<hbm>> -> memref<100000x64xf32, #tpu.memory_space<hbm>>
    tpu.enqueue_indirect_dma source(%dma_start3A_98 : memref<100000x64xf32, #tpu.memory_space<hbm>>) target(%arg10 : memref<320x64xf32, #tpu.memory_space<vmem>>) offsets(%dma_start3A_95 : memref<320xi32, #tpu.memory_space<vmem>>) semaphore(%arg12 : memref<!tpu.dma_semaphore, #tpu.memory_space<semaphore_mem>>)
    %dma_wait3A_99 = arith.constant 640 : i32
    %dma_wait3A_100 = tpu.memref_slice %arg6[%dma_wait3A_99] : memref<2560xi32, #tpu.memory_space<vmem>> -> memref<320xi32, #tpu.memory_space<vmem>>
    %dma_wait3A_101 = arith.constant 0 : i32
    %dma_wait3A_102 = arith.constant 0 : i32
    %dma_wait3A_103 = tpu.memref_slice %arg2[%dma_wait3A_101, %dma_wait3A_102] : memref<100000x64xf32, #tpu.memory_space<hbm>> -> memref<100000x64xf32, #tpu.memory_space<hbm>>
    tpu.wait_indirect_dma semaphore(%arg11 : memref<!tpu.dma_semaphore, #tpu.memory_space<semaphore_mem>>) src(%dma_wait3A_103 : memref<100000x64xf32, #tpu.memory_space<hbm>>) dst(%arg7 : memref<320x64xf32, #tpu.memory_space<vmem>>)
    %dma_wait3A_104 = arith.constant 640 : i32
    %dma_wait3A_105 = tpu.memref_slice %arg6[%dma_wait3A_104] : memref<2560xi32, #tpu.memory_space<vmem>> -> memref<320xi32, #tpu.memory_space<vmem>>
    %dma_wait3A_106 = arith.constant 0 : i32
    %dma_wait3A_107 = arith.constant 0 : i32
    %dma_wait3A_108 = tpu.memref_slice %arg3[%dma_wait3A_106, %dma_wait3A_107] : memref<100000x64xf32, #tpu.memory_space<hbm>> -> memref<100000x64xf32, #tpu.memory_space<hbm>>
    tpu.wait_indirect_dma semaphore(%arg11 : memref<!tpu.dma_semaphore, #tpu.memory_space<semaphore_mem>>) src(%dma_wait3A_108 : memref<100000x64xf32, #tpu.memory_space<hbm>>) dst(%arg8 : memref<320x64xf32, #tpu.memory_space<vmem>>)
    %mul3A_109 = arith.constant 2560 : i32
    %mul3A_110 = arith.muli %add3A, %mul3A_109 : i32
    %add3A_111 = arith.constant 640 : i32
    %add3A_112 = arith.addi %mul3A_110, %add3A_111 : i32
    %dma_start3A_113 = arith.constant 0 : i32
    %dma_start3A_114 = tpu.memref_slice %arg5[%add3A_112, %dma_start3A_113] : memref<81920x128xf32, #tpu.memory_space<hbm>> -> memref<320x64xf32, #tpu.memory_space<hbm>>
    %dma_start3A_115 = arith.constant 0 : i32
    %dma_start3A_116 = tpu.memref_slice %arg5[%add3A_112, %dma_start3A_115] : memref<81920x128xf32, #tpu.memory_space<hbm>> -> memref<320x64xf32, #tpu.memory_space<hbm>>
    tpu.enqueue_dma source(%arg7 : memref<320x64xf32, #tpu.memory_space<vmem>>) target(%dma_start3A_116 : memref<320x64xf32, #tpu.memory_space<hbm>>) target_semaphore(%arg13 : memref<!tpu.dma_semaphore, #tpu.memory_space<semaphore_mem>>)
    %dma_start3A_117 = arith.constant 64 : i32
    %dma_start3A_118 = tpu.memref_slice %arg5[%add3A_112, %dma_start3A_117] : memref<81920x128xf32, #tpu.memory_space<hbm>> -> memref<320x64xf32, #tpu.memory_space<hbm>>
    %dma_start3A_119 = arith.constant 64 : i32
    %dma_start3A_120 = tpu.memref_slice %arg5[%add3A_112, %dma_start3A_119] : memref<81920x128xf32, #tpu.memory_space<hbm>> -> memref<320x64xf32, #tpu.memory_space<hbm>>
    tpu.enqueue_dma source(%arg8 : memref<320x64xf32, #tpu.memory_space<vmem>>) target(%dma_start3A_120 : memref<320x64xf32, #tpu.memory_space<hbm>>) target_semaphore(%arg13 : memref<!tpu.dma_semaphore, #tpu.memory_space<semaphore_mem>>)
    %dma_wait3A_121 = arith.constant 0 : i32
    %dma_wait3A_122 = tpu.memref_slice %arg5[%add3A_112, %dma_wait3A_121] : memref<81920x128xf32, #tpu.memory_space<hbm>> -> memref<320x64xf32, #tpu.memory_space<hbm>>
    %dma_wait3A_123 = arith.constant 0 : i32
    %dma_wait3A_124 = tpu.memref_slice %arg5[%add3A_112, %dma_wait3A_123] : memref<81920x128xf32, #tpu.memory_space<hbm>> -> memref<320x64xf32, #tpu.memory_space<hbm>>
    tpu.wait_dma2 semaphore(%arg13 : memref<!tpu.dma_semaphore, #tpu.memory_space<semaphore_mem>>) src(%arg7 : memref<320x64xf32, #tpu.memory_space<vmem>>) dst(%dma_wait3A_124 : memref<320x64xf32, #tpu.memory_space<hbm>>)
    %dma_wait3A_125 = arith.constant 64 : i32
    %dma_wait3A_126 = tpu.memref_slice %arg5[%add3A_112, %dma_wait3A_125] : memref<81920x128xf32, #tpu.memory_space<hbm>> -> memref<320x64xf32, #tpu.memory_space<hbm>>
    %dma_wait3A_127 = arith.constant 64 : i32
    %dma_wait3A_128 = tpu.memref_slice %arg5[%add3A_112, %dma_wait3A_127] : memref<81920x128xf32, #tpu.memory_space<hbm>> -> memref<320x64xf32, #tpu.memory_space<hbm>>
    tpu.wait_dma2 semaphore(%arg13 : memref<!tpu.dma_semaphore, #tpu.memory_space<semaphore_mem>>) src(%arg8 : memref<320x64xf32, #tpu.memory_space<vmem>>) dst(%dma_wait3A_128 : memref<320x64xf32, #tpu.memory_space<hbm>>)
    %dma_start3A_129 = arith.constant 1280 : i32
    %dma_start3A_130 = tpu.memref_slice %arg6[%dma_start3A_129] : memref<2560xi32, #tpu.memory_space<vmem>> -> memref<320xi32, #tpu.memory_space<vmem>>
    %dma_start3A_131 = arith.constant 0 : i32
    %dma_start3A_132 = arith.constant 0 : i32
    %dma_start3A_133 = tpu.memref_slice %arg2[%dma_start3A_131, %dma_start3A_132] : memref<100000x64xf32, #tpu.memory_space<hbm>> -> memref<100000x64xf32, #tpu.memory_space<hbm>>
    tpu.enqueue_indirect_dma source(%dma_start3A_133 : memref<100000x64xf32, #tpu.memory_space<hbm>>) target(%arg7 : memref<320x64xf32, #tpu.memory_space<vmem>>) offsets(%dma_start3A_130 : memref<320xi32, #tpu.memory_space<vmem>>) semaphore(%arg11 : memref<!tpu.dma_semaphore, #tpu.memory_space<semaphore_mem>>)
    %dma_start3A_134 = arith.constant 1280 : i32
    %dma_start3A_135 = tpu.memref_slice %arg6[%dma_start3A_134] : memref<2560xi32, #tpu.memory_space<vmem>> -> memref<320xi32, #tpu.memory_space<vmem>>
    %dma_start3A_136 = arith.constant 0 : i32
    %dma_start3A_137 = arith.constant 0 : i32
    %dma_start3A_138 = tpu.memref_slice %arg3[%dma_start3A_136, %dma_start3A_137] : memref<100000x64xf32, #tpu.memory_space<hbm>> -> memref<100000x64xf32, #tpu.memory_space<hbm>>
    tpu.enqueue_indirect_dma source(%dma_start3A_138 : memref<100000x64xf32, #tpu.memory_space<hbm>>) target(%arg8 : memref<320x64xf32, #tpu.memory_space<vmem>>) offsets(%dma_start3A_135 : memref<320xi32, #tpu.memory_space<vmem>>) semaphore(%arg11 : memref<!tpu.dma_semaphore, #tpu.memory_space<semaphore_mem>>)
    %dma_wait3A_139 = arith.constant 960 : i32
    %dma_wait3A_140 = tpu.memref_slice %arg6[%dma_wait3A_139] : memref<2560xi32, #tpu.memory_space<vmem>> -> memref<320xi32, #tpu.memory_space<vmem>>
    %dma_wait3A_141 = arith.constant 0 : i32
    %dma_wait3A_142 = arith.constant 0 : i32
    %dma_wait3A_143 = tpu.memref_slice %arg2[%dma_wait3A_141, %dma_wait3A_142] : memref<100000x64xf32, #tpu.memory_space<hbm>> -> memref<100000x64xf32, #tpu.memory_space<hbm>>
    tpu.wait_indirect_dma semaphore(%arg12 : memref<!tpu.dma_semaphore, #tpu.memory_space<semaphore_mem>>) src(%dma_wait3A_143 : memref<100000x64xf32, #tpu.memory_space<hbm>>) dst(%arg9 : memref<320x64xf32, #tpu.memory_space<vmem>>)
    %dma_wait3A_144 = arith.constant 960 : i32
    %dma_wait3A_145 = tpu.memref_slice %arg6[%dma_wait3A_144] : memref<2560xi32, #tpu.memory_space<vmem>> -> memref<320xi32, #tpu.memory_space<vmem>>
    %dma_wait3A_146 = arith.constant 0 : i32
    %dma_wait3A_147 = arith.constant 0 : i32
    %dma_wait3A_148 = tpu.memref_slice %arg3[%dma_wait3A_146, %dma_wait3A_147] : memref<100000x64xf32, #tpu.memory_space<hbm>> -> memref<100000x64xf32, #tpu.memory_space<hbm>>
    tpu.wait_indirect_dma semaphore(%arg12 : memref<!tpu.dma_semaphore, #tpu.memory_space<semaphore_mem>>) src(%dma_wait3A_148 : memref<100000x64xf32, #tpu.memory_space<hbm>>) dst(%arg10 : memref<320x64xf32, #tpu.memory_space<vmem>>)
    %mul3A_149 = arith.constant 2560 : i32
    %mul3A_150 = arith.muli %add3A, %mul3A_149 : i32
    %add3A_151 = arith.constant 960 : i32
    %add3A_152 = arith.addi %mul3A_150, %add3A_151 : i32
    %dma_start3A_153 = arith.constant 0 : i32
    %dma_start3A_154 = tpu.memref_slice %arg5[%add3A_152, %dma_start3A_153] : memref<81920x128xf32, #tpu.memory_space<hbm>> -> memref<320x64xf32, #tpu.memory_space<hbm>>
    %dma_start3A_155 = arith.constant 0 : i32
    %dma_start3A_156 = tpu.memref_slice %arg5[%add3A_152, %dma_start3A_155] : memref<81920x128xf32, #tpu.memory_space<hbm>> -> memref<320x64xf32, #tpu.memory_space<hbm>>
    tpu.enqueue_dma source(%arg9 : memref<320x64xf32, #tpu.memory_space<vmem>>) target(%dma_start3A_156 : memref<320x64xf32, #tpu.memory_space<hbm>>) target_semaphore(%arg14 : memref<!tpu.dma_semaphore, #tpu.memory_space<semaphore_mem>>)
    %dma_start3A_157 = arith.constant 64 : i32
    %dma_start3A_158 = tpu.memref_slice %arg5[%add3A_152, %dma_start3A_157] : memref<81920x128xf32, #tpu.memory_space<hbm>> -> memref<320x64xf32, #tpu.memory_space<hbm>>
    %dma_start3A_159 = arith.constant 64 : i32
    %dma_start3A_160 = tpu.memref_slice %arg5[%add3A_152, %dma_start3A_159] : memref<81920x128xf32, #tpu.memory_space<hbm>> -> memref<320x64xf32, #tpu.memory_space<hbm>>
    tpu.enqueue_dma source(%arg10 : memref<320x64xf32, #tpu.memory_space<vmem>>) target(%dma_start3A_160 : memref<320x64xf32, #tpu.memory_space<hbm>>) target_semaphore(%arg14 : memref<!tpu.dma_semaphore, #tpu.memory_space<semaphore_mem>>)
    %dma_wait3A_161 = arith.constant 0 : i32
    %dma_wait3A_162 = tpu.memref_slice %arg5[%add3A_152, %dma_wait3A_161] : memref<81920x128xf32, #tpu.memory_space<hbm>> -> memref<320x64xf32, #tpu.memory_space<hbm>>
    %dma_wait3A_163 = arith.constant 0 : i32
    %dma_wait3A_164 = tpu.memref_slice %arg5[%add3A_152, %dma_wait3A_163] : memref<81920x128xf32, #tpu.memory_space<hbm>> -> memref<320x64xf32, #tpu.memory_space<hbm>>
    tpu.wait_dma2 semaphore(%arg14 : memref<!tpu.dma_semaphore, #tpu.memory_space<semaphore_mem>>) src(%arg9 : memref<320x64xf32, #tpu.memory_space<vmem>>) dst(%dma_wait3A_164 : memref<320x64xf32, #tpu.memory_space<hbm>>)
    %dma_wait3A_165 = arith.constant 64 : i32
    %dma_wait3A_166 = tpu.memref_slice %arg5[%add3A_152, %dma_wait3A_165] : memref<81920x128xf32, #tpu.memory_space<hbm>> -> memref<320x64xf32, #tpu.memory_space<hbm>>
    %dma_wait3A_167 = arith.constant 64 : i32
    %dma_wait3A_168 = tpu.memref_slice %arg5[%add3A_152, %dma_wait3A_167] : memref<81920x128xf32, #tpu.memory_space<hbm>> -> memref<320x64xf32, #tpu.memory_space<hbm>>
    tpu.wait_dma2 semaphore(%arg14 : memref<!tpu.dma_semaphore, #tpu.memory_space<semaphore_mem>>) src(%arg10 : memref<320x64xf32, #tpu.memory_space<vmem>>) dst(%dma_wait3A_168 : memref<320x64xf32, #tpu.memory_space<hbm>>)
    %dma_start3A_169 = arith.constant 1600 : i32
    %dma_start3A_170 = tpu.memref_slice %arg6[%dma_start3A_169] : memref<2560xi32, #tpu.memory_space<vmem>> -> memref<320xi32, #tpu.memory_space<vmem>>
    %dma_start3A_171 = arith.constant 0 : i32
    %dma_start3A_172 = arith.constant 0 : i32
    %dma_start3A_173 = tpu.memref_slice %arg2[%dma_start3A_171, %dma_start3A_172] : memref<100000x64xf32, #tpu.memory_space<hbm>> -> memref<100000x64xf32, #tpu.memory_space<hbm>>
    tpu.enqueue_indirect_dma source(%dma_start3A_173 : memref<100000x64xf32, #tpu.memory_space<hbm>>) target(%arg9 : memref<320x64xf32, #tpu.memory_space<vmem>>) offsets(%dma_start3A_170 : memref<320xi32, #tpu.memory_space<vmem>>) semaphore(%arg12 : memref<!tpu.dma_semaphore, #tpu.memory_space<semaphore_mem>>)
    %dma_start3A_174 = arith.constant 1600 : i32
    %dma_start3A_175 = tpu.memref_slice %arg6[%dma_start3A_174] : memref<2560xi32, #tpu.memory_space<vmem>> -> memref<320xi32, #tpu.memory_space<vmem>>
    %dma_start3A_176 = arith.constant 0 : i32
    %dma_start3A_177 = arith.constant 0 : i32
    %dma_start3A_178 = tpu.memref_slice %arg3[%dma_start3A_176, %dma_start3A_177] : memref<100000x64xf32, #tpu.memory_space<hbm>> -> memref<100000x64xf32, #tpu.memory_space<hbm>>
    tpu.enqueue_indirect_dma source(%dma_start3A_178 : memref<100000x64xf32, #tpu.memory_space<hbm>>) target(%arg10 : memref<320x64xf32, #tpu.memory_space<vmem>>) offsets(%dma_start3A_175 : memref<320xi32, #tpu.memory_space<vmem>>) semaphore(%arg12 : memref<!tpu.dma_semaphore, #tpu.memory_space<semaphore_mem>>)
    %dma_wait3A_179 = arith.constant 1280 : i32
    %dma_wait3A_180 = tpu.memref_slice %arg6[%dma_wait3A_179] : memref<2560xi32, #tpu.memory_space<vmem>> -> memref<320xi32, #tpu.memory_space<vmem>>
    %dma_wait3A_181 = arith.constant 0 : i32
    %dma_wait3A_182 = arith.constant 0 : i32
    %dma_wait3A_183 = tpu.memref_slice %arg2[%dma_wait3A_181, %dma_wait3A_182] : memref<100000x64xf32, #tpu.memory_space<hbm>> -> memref<100000x64xf32, #tpu.memory_space<hbm>>
    tpu.wait_indirect_dma semaphore(%arg11 : memref<!tpu.dma_semaphore, #tpu.memory_space<semaphore_mem>>) src(%dma_wait3A_183 : memref<100000x64xf32, #tpu.memory_space<hbm>>) dst(%arg7 : memref<320x64xf32, #tpu.memory_space<vmem>>)
    %dma_wait3A_184 = arith.constant 1280 : i32
    %dma_wait3A_185 = tpu.memref_slice %arg6[%dma_wait3A_184] : memref<2560xi32, #tpu.memory_space<vmem>> -> memref<320xi32, #tpu.memory_space<vmem>>
    %dma_wait3A_186 = arith.constant 0 : i32
    %dma_wait3A_187 = arith.constant 0 : i32
    %dma_wait3A_188 = tpu.memref_slice %arg3[%dma_wait3A_186, %dma_wait3A_187] : memref<100000x64xf32, #tpu.memory_space<hbm>> -> memref<100000x64xf32, #tpu.memory_space<hbm>>
    tpu.wait_indirect_dma semaphore(%arg11 : memref<!tpu.dma_semaphore, #tpu.memory_space<semaphore_mem>>) src(%dma_wait3A_188 : memref<100000x64xf32, #tpu.memory_space<hbm>>) dst(%arg8 : memref<320x64xf32, #tpu.memory_space<vmem>>)
    %mul3A_189 = arith.constant 2560 : i32
    %mul3A_190 = arith.muli %add3A, %mul3A_189 : i32
    %add3A_191 = arith.constant 1280 : i32
    %add3A_192 = arith.addi %mul3A_190, %add3A_191 : i32
    %dma_start3A_193 = arith.constant 0 : i32
    %dma_start3A_194 = tpu.memref_slice %arg5[%add3A_192, %dma_start3A_193] : memref<81920x128xf32, #tpu.memory_space<hbm>> -> memref<320x64xf32, #tpu.memory_space<hbm>>
    %dma_start3A_195 = arith.constant 0 : i32
    %dma_start3A_196 = tpu.memref_slice %arg5[%add3A_192, %dma_start3A_195] : memref<81920x128xf32, #tpu.memory_space<hbm>> -> memref<320x64xf32, #tpu.memory_space<hbm>>
    tpu.enqueue_dma source(%arg7 : memref<320x64xf32, #tpu.memory_space<vmem>>) target(%dma_start3A_196 : memref<320x64xf32, #tpu.memory_space<hbm>>) target_semaphore(%arg13 : memref<!tpu.dma_semaphore, #tpu.memory_space<semaphore_mem>>)
    %dma_start3A_197 = arith.constant 64 : i32
    %dma_start3A_198 = tpu.memref_slice %arg5[%add3A_192, %dma_start3A_197] : memref<81920x128xf32, #tpu.memory_space<hbm>> -> memref<320x64xf32, #tpu.memory_space<hbm>>
    %dma_start3A_199 = arith.constant 64 : i32
    %dma_start3A_200 = tpu.memref_slice %arg5[%add3A_192, %dma_start3A_199] : memref<81920x128xf32, #tpu.memory_space<hbm>> -> memref<320x64xf32, #tpu.memory_space<hbm>>
    tpu.enqueue_dma source(%arg8 : memref<320x64xf32, #tpu.memory_space<vmem>>) target(%dma_start3A_200 : memref<320x64xf32, #tpu.memory_space<hbm>>) target_semaphore(%arg13 : memref<!tpu.dma_semaphore, #tpu.memory_space<semaphore_mem>>)
    %dma_wait3A_201 = arith.constant 0 : i32
    %dma_wait3A_202 = tpu.memref_slice %arg5[%add3A_192, %dma_wait3A_201] : memref<81920x128xf32, #tpu.memory_space<hbm>> -> memref<320x64xf32, #tpu.memory_space<hbm>>
    %dma_wait3A_203 = arith.constant 0 : i32
    %dma_wait3A_204 = tpu.memref_slice %arg5[%add3A_192, %dma_wait3A_203] : memref<81920x128xf32, #tpu.memory_space<hbm>> -> memref<320x64xf32, #tpu.memory_space<hbm>>
    tpu.wait_dma2 semaphore(%arg13 : memref<!tpu.dma_semaphore, #tpu.memory_space<semaphore_mem>>) src(%arg7 : memref<320x64xf32, #tpu.memory_space<vmem>>) dst(%dma_wait3A_204 : memref<320x64xf32, #tpu.memory_space<hbm>>)
    %dma_wait3A_205 = arith.constant 64 : i32
    %dma_wait3A_206 = tpu.memref_slice %arg5[%add3A_192, %dma_wait3A_205] : memref<81920x128xf32, #tpu.memory_space<hbm>> -> memref<320x64xf32, #tpu.memory_space<hbm>>
    %dma_wait3A_207 = arith.constant 64 : i32
    %dma_wait3A_208 = tpu.memref_slice %arg5[%add3A_192, %dma_wait3A_207] : memref<81920x128xf32, #tpu.memory_space<hbm>> -> memref<320x64xf32, #tpu.memory_space<hbm>>
    tpu.wait_dma2 semaphore(%arg13 : memref<!tpu.dma_semaphore, #tpu.memory_space<semaphore_mem>>) src(%arg8 : memref<320x64xf32, #tpu.memory_space<vmem>>) dst(%dma_wait3A_208 : memref<320x64xf32, #tpu.memory_space<hbm>>)
    %dma_start3A_209 = arith.constant 1920 : i32
    %dma_start3A_210 = tpu.memref_slice %arg6[%dma_start3A_209] : memref<2560xi32, #tpu.memory_space<vmem>> -> memref<320xi32, #tpu.memory_space<vmem>>
    %dma_start3A_211 = arith.constant 0 : i32
    %dma_start3A_212 = arith.constant 0 : i32
    %dma_start3A_213 = tpu.memref_slice %arg2[%dma_start3A_211, %dma_start3A_212] : memref<100000x64xf32, #tpu.memory_space<hbm>> -> memref<100000x64xf32, #tpu.memory_space<hbm>>
    tpu.enqueue_indirect_dma source(%dma_start3A_213 : memref<100000x64xf32, #tpu.memory_space<hbm>>) target(%arg7 : memref<320x64xf32, #tpu.memory_space<vmem>>) offsets(%dma_start3A_210 : memref<320xi32, #tpu.memory_space<vmem>>) semaphore(%arg11 : memref<!tpu.dma_semaphore, #tpu.memory_space<semaphore_mem>>)
    %dma_start3A_214 = arith.constant 1920 : i32
    %dma_start3A_215 = tpu.memref_slice %arg6[%dma_start3A_214] : memref<2560xi32, #tpu.memory_space<vmem>> -> memref<320xi32, #tpu.memory_space<vmem>>
    %dma_start3A_216 = arith.constant 0 : i32
    %dma_start3A_217 = arith.constant 0 : i32
    %dma_start3A_218 = tpu.memref_slice %arg3[%dma_start3A_216, %dma_start3A_217] : memref<100000x64xf32, #tpu.memory_space<hbm>> -> memref<100000x64xf32, #tpu.memory_space<hbm>>
    tpu.enqueue_indirect_dma source(%dma_start3A_218 : memref<100000x64xf32, #tpu.memory_space<hbm>>) target(%arg8 : memref<320x64xf32, #tpu.memory_space<vmem>>) offsets(%dma_start3A_215 : memref<320xi32, #tpu.memory_space<vmem>>) semaphore(%arg11 : memref<!tpu.dma_semaphore, #tpu.memory_space<semaphore_mem>>)
    %dma_wait3A_219 = arith.constant 1600 : i32
    %dma_wait3A_220 = tpu.memref_slice %arg6[%dma_wait3A_219] : memref<2560xi32, #tpu.memory_space<vmem>> -> memref<320xi32, #tpu.memory_space<vmem>>
    %dma_wait3A_221 = arith.constant 0 : i32
    %dma_wait3A_222 = arith.constant 0 : i32
    %dma_wait3A_223 = tpu.memref_slice %arg2[%dma_wait3A_221, %dma_wait3A_222] : memref<100000x64xf32, #tpu.memory_space<hbm>> -> memref<100000x64xf32, #tpu.memory_space<hbm>>
    tpu.wait_indirect_dma semaphore(%arg12 : memref<!tpu.dma_semaphore, #tpu.memory_space<semaphore_mem>>) src(%dma_wait3A_223 : memref<100000x64xf32, #tpu.memory_space<hbm>>) dst(%arg9 : memref<320x64xf32, #tpu.memory_space<vmem>>)
    %dma_wait3A_224 = arith.constant 1600 : i32
    %dma_wait3A_225 = tpu.memref_slice %arg6[%dma_wait3A_224] : memref<2560xi32, #tpu.memory_space<vmem>> -> memref<320xi32, #tpu.memory_space<vmem>>
    %dma_wait3A_226 = arith.constant 0 : i32
    %dma_wait3A_227 = arith.constant 0 : i32
    %dma_wait3A_228 = tpu.memref_slice %arg3[%dma_wait3A_226, %dma_wait3A_227] : memref<100000x64xf32, #tpu.memory_space<hbm>> -> memref<100000x64xf32, #tpu.memory_space<hbm>>
    tpu.wait_indirect_dma semaphore(%arg12 : memref<!tpu.dma_semaphore, #tpu.memory_space<semaphore_mem>>) src(%dma_wait3A_228 : memref<100000x64xf32, #tpu.memory_space<hbm>>) dst(%arg10 : memref<320x64xf32, #tpu.memory_space<vmem>>)
    %mul3A_229 = arith.constant 2560 : i32
    %mul3A_230 = arith.muli %add3A, %mul3A_229 : i32
    %add3A_231 = arith.constant 1600 : i32
    %add3A_232 = arith.addi %mul3A_230, %add3A_231 : i32
    %dma_start3A_233 = arith.constant 0 : i32
    %dma_start3A_234 = tpu.memref_slice %arg5[%add3A_232, %dma_start3A_233] : memref<81920x128xf32, #tpu.memory_space<hbm>> -> memref<320x64xf32, #tpu.memory_space<hbm>>
    %dma_start3A_235 = arith.constant 0 : i32
    %dma_start3A_236 = tpu.memref_slice %arg5[%add3A_232, %dma_start3A_235] : memref<81920x128xf32, #tpu.memory_space<hbm>> -> memref<320x64xf32, #tpu.memory_space<hbm>>
    tpu.enqueue_dma source(%arg9 : memref<320x64xf32, #tpu.memory_space<vmem>>) target(%dma_start3A_236 : memref<320x64xf32, #tpu.memory_space<hbm>>) target_semaphore(%arg14 : memref<!tpu.dma_semaphore, #tpu.memory_space<semaphore_mem>>)
    %dma_start3A_237 = arith.constant 64 : i32
    %dma_start3A_238 = tpu.memref_slice %arg5[%add3A_232, %dma_start3A_237] : memref<81920x128xf32, #tpu.memory_space<hbm>> -> memref<320x64xf32, #tpu.memory_space<hbm>>
    %dma_start3A_239 = arith.constant 64 : i32
    %dma_start3A_240 = tpu.memref_slice %arg5[%add3A_232, %dma_start3A_239] : memref<81920x128xf32, #tpu.memory_space<hbm>> -> memref<320x64xf32, #tpu.memory_space<hbm>>
    tpu.enqueue_dma source(%arg10 : memref<320x64xf32, #tpu.memory_space<vmem>>) target(%dma_start3A_240 : memref<320x64xf32, #tpu.memory_space<hbm>>) target_semaphore(%arg14 : memref<!tpu.dma_semaphore, #tpu.memory_space<semaphore_mem>>)
    %dma_wait3A_241 = arith.constant 0 : i32
    %dma_wait3A_242 = tpu.memref_slice %arg5[%add3A_232, %dma_wait3A_241] : memref<81920x128xf32, #tpu.memory_space<hbm>> -> memref<320x64xf32, #tpu.memory_space<hbm>>
    %dma_wait3A_243 = arith.constant 0 : i32
    %dma_wait3A_244 = tpu.memref_slice %arg5[%add3A_232, %dma_wait3A_243] : memref<81920x128xf32, #tpu.memory_space<hbm>> -> memref<320x64xf32, #tpu.memory_space<hbm>>
    tpu.wait_dma2 semaphore(%arg14 : memref<!tpu.dma_semaphore, #tpu.memory_space<semaphore_mem>>) src(%arg9 : memref<320x64xf32, #tpu.memory_space<vmem>>) dst(%dma_wait3A_244 : memref<320x64xf32, #tpu.memory_space<hbm>>)
    %dma_wait3A_245 = arith.constant 64 : i32
    %dma_wait3A_246 = tpu.memref_slice %arg5[%add3A_232, %dma_wait3A_245] : memref<81920x128xf32, #tpu.memory_space<hbm>> -> memref<320x64xf32, #tpu.memory_space<hbm>>
    %dma_wait3A_247 = arith.constant 64 : i32
    %dma_wait3A_248 = tpu.memref_slice %arg5[%add3A_232, %dma_wait3A_247] : memref<81920x128xf32, #tpu.memory_space<hbm>> -> memref<320x64xf32, #tpu.memory_space<hbm>>
    tpu.wait_dma2 semaphore(%arg14 : memref<!tpu.dma_semaphore, #tpu.memory_space<semaphore_mem>>) src(%arg10 : memref<320x64xf32, #tpu.memory_space<vmem>>) dst(%dma_wait3A_248 : memref<320x64xf32, #tpu.memory_space<hbm>>)
    %dma_start3A_249 = arith.constant 2240 : i32
    %dma_start3A_250 = tpu.memref_slice %arg6[%dma_start3A_249] : memref<2560xi32, #tpu.memory_space<vmem>> -> memref<320xi32, #tpu.memory_space<vmem>>
    %dma_start3A_251 = arith.constant 0 : i32
    %dma_start3A_252 = arith.constant 0 : i32
    %dma_start3A_253 = tpu.memref_slice %arg2[%dma_start3A_251, %dma_start3A_252] : memref<100000x64xf32, #tpu.memory_space<hbm>> -> memref<100000x64xf32, #tpu.memory_space<hbm>>
    tpu.enqueue_indirect_dma source(%dma_start3A_253 : memref<100000x64xf32, #tpu.memory_space<hbm>>) target(%arg9 : memref<320x64xf32, #tpu.memory_space<vmem>>) offsets(%dma_start3A_250 : memref<320xi32, #tpu.memory_space<vmem>>) semaphore(%arg12 : memref<!tpu.dma_semaphore, #tpu.memory_space<semaphore_mem>>)
    %dma_start3A_254 = arith.constant 2240 : i32
    %dma_start3A_255 = tpu.memref_slice %arg6[%dma_start3A_254] : memref<2560xi32, #tpu.memory_space<vmem>> -> memref<320xi32, #tpu.memory_space<vmem>>
    %dma_start3A_256 = arith.constant 0 : i32
    %dma_start3A_257 = arith.constant 0 : i32
    %dma_start3A_258 = tpu.memref_slice %arg3[%dma_start3A_256, %dma_start3A_257] : memref<100000x64xf32, #tpu.memory_space<hbm>> -> memref<100000x64xf32, #tpu.memory_space<hbm>>
    tpu.enqueue_indirect_dma source(%dma_start3A_258 : memref<100000x64xf32, #tpu.memory_space<hbm>>) target(%arg10 : memref<320x64xf32, #tpu.memory_space<vmem>>) offsets(%dma_start3A_255 : memref<320xi32, #tpu.memory_space<vmem>>) semaphore(%arg12 : memref<!tpu.dma_semaphore, #tpu.memory_space<semaphore_mem>>)
    %dma_wait3A_259 = arith.constant 1920 : i32
    %dma_wait3A_260 = tpu.memref_slice %arg6[%dma_wait3A_259] : memref<2560xi32, #tpu.memory_space<vmem>> -> memref<320xi32, #tpu.memory_space<vmem>>
    %dma_wait3A_261 = arith.constant 0 : i32
    %dma_wait3A_262 = arith.constant 0 : i32
    %dma_wait3A_263 = tpu.memref_slice %arg2[%dma_wait3A_261, %dma_wait3A_262] : memref<100000x64xf32, #tpu.memory_space<hbm>> -> memref<100000x64xf32, #tpu.memory_space<hbm>>
    tpu.wait_indirect_dma semaphore(%arg11 : memref<!tpu.dma_semaphore, #tpu.memory_space<semaphore_mem>>) src(%dma_wait3A_263 : memref<100000x64xf32, #tpu.memory_space<hbm>>) dst(%arg7 : memref<320x64xf32, #tpu.memory_space<vmem>>)
    %dma_wait3A_264 = arith.constant 1920 : i32
    %dma_wait3A_265 = tpu.memref_slice %arg6[%dma_wait3A_264] : memref<2560xi32, #tpu.memory_space<vmem>> -> memref<320xi32, #tpu.memory_space<vmem>>
    %dma_wait3A_266 = arith.constant 0 : i32
    %dma_wait3A_267 = arith.constant 0 : i32
    %dma_wait3A_268 = tpu.memref_slice %arg3[%dma_wait3A_266, %dma_wait3A_267] : memref<100000x64xf32, #tpu.memory_space<hbm>> -> memref<100000x64xf32, #tpu.memory_space<hbm>>
    tpu.wait_indirect_dma semaphore(%arg11 : memref<!tpu.dma_semaphore, #tpu.memory_space<semaphore_mem>>) src(%dma_wait3A_268 : memref<100000x64xf32, #tpu.memory_space<hbm>>) dst(%arg8 : memref<320x64xf32, #tpu.memory_space<vmem>>)
    %mul3A_269 = arith.constant 2560 : i32
    %mul3A_270 = arith.muli %add3A, %mul3A_269 : i32
    %add3A_271 = arith.constant 1920 : i32
    %add3A_272 = arith.addi %mul3A_270, %add3A_271 : i32
    %dma_start3A_273 = arith.constant 0 : i32
    %dma_start3A_274 = tpu.memref_slice %arg5[%add3A_272, %dma_start3A_273] : memref<81920x128xf32, #tpu.memory_space<hbm>> -> memref<320x64xf32, #tpu.memory_space<hbm>>
    %dma_start3A_275 = arith.constant 0 : i32
    %dma_start3A_276 = tpu.memref_slice %arg5[%add3A_272, %dma_start3A_275] : memref<81920x128xf32, #tpu.memory_space<hbm>> -> memref<320x64xf32, #tpu.memory_space<hbm>>
    tpu.enqueue_dma source(%arg7 : memref<320x64xf32, #tpu.memory_space<vmem>>) target(%dma_start3A_276 : memref<320x64xf32, #tpu.memory_space<hbm>>) target_semaphore(%arg13 : memref<!tpu.dma_semaphore, #tpu.memory_space<semaphore_mem>>)
    %dma_start3A_277 = arith.constant 64 : i32
    %dma_start3A_278 = tpu.memref_slice %arg5[%add3A_272, %dma_start3A_277] : memref<81920x128xf32, #tpu.memory_space<hbm>> -> memref<320x64xf32, #tpu.memory_space<hbm>>
    %dma_start3A_279 = arith.constant 64 : i32
    %dma_start3A_280 = tpu.memref_slice %arg5[%add3A_272, %dma_start3A_279] : memref<81920x128xf32, #tpu.memory_space<hbm>> -> memref<320x64xf32, #tpu.memory_space<hbm>>
    tpu.enqueue_dma source(%arg8 : memref<320x64xf32, #tpu.memory_space<vmem>>) target(%dma_start3A_280 : memref<320x64xf32, #tpu.memory_space<hbm>>) target_semaphore(%arg13 : memref<!tpu.dma_semaphore, #tpu.memory_space<semaphore_mem>>)
    %dma_wait3A_281 = arith.constant 2240 : i32
    %dma_wait3A_282 = tpu.memref_slice %arg6[%dma_wait3A_281] : memref<2560xi32, #tpu.memory_space<vmem>> -> memref<320xi32, #tpu.memory_space<vmem>>
    %dma_wait3A_283 = arith.constant 0 : i32
    %dma_wait3A_284 = arith.constant 0 : i32
    %dma_wait3A_285 = tpu.memref_slice %arg2[%dma_wait3A_283, %dma_wait3A_284] : memref<100000x64xf32, #tpu.memory_space<hbm>> -> memref<100000x64xf32, #tpu.memory_space<hbm>>
    tpu.wait_indirect_dma semaphore(%arg12 : memref<!tpu.dma_semaphore, #tpu.memory_space<semaphore_mem>>) src(%dma_wait3A_285 : memref<100000x64xf32, #tpu.memory_space<hbm>>) dst(%arg9 : memref<320x64xf32, #tpu.memory_space<vmem>>)
    %dma_wait3A_286 = arith.constant 2240 : i32
    %dma_wait3A_287 = tpu.memref_slice %arg6[%dma_wait3A_286] : memref<2560xi32, #tpu.memory_space<vmem>> -> memref<320xi32, #tpu.memory_space<vmem>>
    %dma_wait3A_288 = arith.constant 0 : i32
    %dma_wait3A_289 = arith.constant 0 : i32
    %dma_wait3A_290 = tpu.memref_slice %arg3[%dma_wait3A_288, %dma_wait3A_289] : memref<100000x64xf32, #tpu.memory_space<hbm>> -> memref<100000x64xf32, #tpu.memory_space<hbm>>
    tpu.wait_indirect_dma semaphore(%arg12 : memref<!tpu.dma_semaphore, #tpu.memory_space<semaphore_mem>>) src(%dma_wait3A_290 : memref<100000x64xf32, #tpu.memory_space<hbm>>) dst(%arg10 : memref<320x64xf32, #tpu.memory_space<vmem>>)
    %mul3A_291 = arith.constant 2560 : i32
    %mul3A_292 = arith.muli %add3A, %mul3A_291 : i32
    %add3A_293 = arith.constant 2240 : i32
    %add3A_294 = arith.addi %mul3A_292, %add3A_293 : i32
    %dma_start3A_295 = arith.constant 0 : i32
    %dma_start3A_296 = tpu.memref_slice %arg5[%add3A_294, %dma_start3A_295] : memref<81920x128xf32, #tpu.memory_space<hbm>> -> memref<320x64xf32, #tpu.memory_space<hbm>>
    %dma_start3A_297 = arith.constant 0 : i32
    %dma_start3A_298 = tpu.memref_slice %arg5[%add3A_294, %dma_start3A_297] : memref<81920x128xf32, #tpu.memory_space<hbm>> -> memref<320x64xf32, #tpu.memory_space<hbm>>
    tpu.enqueue_dma source(%arg9 : memref<320x64xf32, #tpu.memory_space<vmem>>) target(%dma_start3A_298 : memref<320x64xf32, #tpu.memory_space<hbm>>) target_semaphore(%arg14 : memref<!tpu.dma_semaphore, #tpu.memory_space<semaphore_mem>>)
    %dma_start3A_299 = arith.constant 64 : i32
    %dma_start3A_300 = tpu.memref_slice %arg5[%add3A_294, %dma_start3A_299] : memref<81920x128xf32, #tpu.memory_space<hbm>> -> memref<320x64xf32, #tpu.memory_space<hbm>>
    %dma_start3A_301 = arith.constant 64 : i32
    %dma_start3A_302 = tpu.memref_slice %arg5[%add3A_294, %dma_start3A_301] : memref<81920x128xf32, #tpu.memory_space<hbm>> -> memref<320x64xf32, #tpu.memory_space<hbm>>
    tpu.enqueue_dma source(%arg10 : memref<320x64xf32, #tpu.memory_space<vmem>>) target(%dma_start3A_302 : memref<320x64xf32, #tpu.memory_space<hbm>>) target_semaphore(%arg14 : memref<!tpu.dma_semaphore, #tpu.memory_space<semaphore_mem>>)
    %dma_wait3A_303 = arith.constant 0 : i32
    %dma_wait3A_304 = tpu.memref_slice %arg5[%add3A_272, %dma_wait3A_303] : memref<81920x128xf32, #tpu.memory_space<hbm>> -> memref<320x64xf32, #tpu.memory_space<hbm>>
    %dma_wait3A_305 = arith.constant 0 : i32
    %dma_wait3A_306 = tpu.memref_slice %arg5[%add3A_272, %dma_wait3A_305] : memref<81920x128xf32, #tpu.memory_space<hbm>> -> memref<320x64xf32, #tpu.memory_space<hbm>>
    tpu.wait_dma2 semaphore(%arg13 : memref<!tpu.dma_semaphore, #tpu.memory_space<semaphore_mem>>) src(%arg7 : memref<320x64xf32, #tpu.memory_space<vmem>>) dst(%dma_wait3A_306 : memref<320x64xf32, #tpu.memory_space<hbm>>)
    %dma_wait3A_307 = arith.constant 64 : i32
    %dma_wait3A_308 = tpu.memref_slice %arg5[%add3A_272, %dma_wait3A_307] : memref<81920x128xf32, #tpu.memory_space<hbm>> -> memref<320x64xf32, #tpu.memory_space<hbm>>
    %dma_wait3A_309 = arith.constant 64 : i32
    %dma_wait3A_310 = tpu.memref_slice %arg5[%add3A_272, %dma_wait3A_309] : memref<81920x128xf32, #tpu.memory_space<hbm>> -> memref<320x64xf32, #tpu.memory_space<hbm>>
    tpu.wait_dma2 semaphore(%arg13 : memref<!tpu.dma_semaphore, #tpu.memory_space<semaphore_mem>>) src(%arg8 : memref<320x64xf32, #tpu.memory_space<vmem>>) dst(%dma_wait3A_310 : memref<320x64xf32, #tpu.memory_space<hbm>>)
    %dma_wait3A_311 = arith.constant 0 : i32
    %dma_wait3A_312 = tpu.memref_slice %arg5[%add3A_294, %dma_wait3A_311] : memref<81920x128xf32, #tpu.memory_space<hbm>> -> memref<320x64xf32, #tpu.memory_space<hbm>>
    %dma_wait3A_313 = arith.constant 0 : i32
    %dma_wait3A_314 = tpu.memref_slice %arg5[%add3A_294, %dma_wait3A_313] : memref<81920x128xf32, #tpu.memory_space<hbm>> -> memref<320x64xf32, #tpu.memory_space<hbm>>
    tpu.wait_dma2 semaphore(%arg14 : memref<!tpu.dma_semaphore, #tpu.memory_space<semaphore_mem>>) src(%arg9 : memref<320x64xf32, #tpu.memory_space<vmem>>) dst(%dma_wait3A_314 : memref<320x64xf32, #tpu.memory_space<hbm>>)
    %dma_wait3A_315 = arith.constant 64 : i32
    %dma_wait3A_316 = tpu.memref_slice %arg5[%add3A_294, %dma_wait3A_315] : memref<81920x128xf32, #tpu.memory_space<hbm>> -> memref<320x64xf32, #tpu.memory_space<hbm>>
    %dma_wait3A_317 = arith.constant 64 : i32
    %dma_wait3A_318 = tpu.memref_slice %arg5[%add3A_294, %dma_wait3A_317] : memref<81920x128xf32, #tpu.memory_space<hbm>> -> memref<320x64xf32, #tpu.memory_space<hbm>>
    tpu.wait_dma2 semaphore(%arg14 : memref<!tpu.dma_semaphore, #tpu.memory_space<semaphore_mem>>) src(%arg10 : memref<320x64xf32, #tpu.memory_space<vmem>>) dst(%dma_wait3A_318 : memref<320x64xf32, #tpu.memory_space<hbm>>)
    return
  }
}

</mosaic_0001>

<sc_bundles>
// kernel: kernel.3.cloned.1.call-start
scs
__scs_entry_jumppad:
0x0: {  	(pc) =	sbr.rel $0x88, $3  }
0x1: {  	(tag) =	ssettag $0x0;
	lr =	simm.s32 $0x1  }
0x2: {  	[smem:$0x3F9E] =	sst lr;
	_ =	strace $0xD0000000  }
0x3: {  	_ = 	snop  }
0x4: {  	_ = 	snop  }
0x5: {  	_ = 	snop  }
0x6: {  	_ = 	snop  }
0x7: {  	_ = 	snop  }
__scs_overlays_trampoline_lowered:
0x8: {  	[smem:$0x3FAD] =	sst s0  }
0x9: {  	[smem:$0x3FAE] =	sst s1  }
0xa: {  	[smem:$0x3FAF] =	sst s2  }
0xb: {  	[smem:$0x3FB0] =	sst s3  }
0xc: {  	[smem:$0x3FB1] =	sst s4  }
0xd: {  	[smem:$0x3FB2] =	sst s5  }
0xe: {  	[smem:$0x3FB3] =	sst s6  }
0xf: {  	[smem:$0x3FB4] =	sst s7  }
0x10: {  	[smem:$0x3FB5] =	sst s8  }
0x11: {  	[smem:$0x3FB6] =	sst s9;
	s0 =	simm.s32 @!p0 $0x0  }
0x12: {  	s1 =	sld [smem:$0x3F9C];
	s0 =	simm.s32 @p0 $0x1  }
0x13: {  	[smem:$0x3FB7] =	sst s0;
	s0 =	simm.s32 @!p1 $0x0  }
0x14: {  	s2 =	sld [smem:$0x3F9B];
	s0 =	simm.s32 @p1 $0x1  }
0x15: {  	[smem:$0x3FB8] =	sst s0;
	s0 =	simm.s32 @!p2 $0x0  }
0x16: {  	s3 =	sld [smem:$0x3FDB];
	s0 =	simm.s32 @p2 $0x1  }
0x17: {  	s4 =	simm.s32 $0x1BF5;
	[smem:$0x3FBA] =	sst s0  }
0x18: {  	s0 =	sld [smem:$0x3F9D];
	_ =	swait.ge [sflag:s4], $0x0  }
0x19: {  	s7 =	sld [smem:$0x3F9E]  }
0x1a: {  	s8 =	sadd.s32 $0xFFFFE003, lr  }
0x1b: {  	s9 =	sadd.s32 $0xFFFFFEF7, lr;
	s5 =	simm.s32 $0xFFFFFFFF;
	p2 =	slt.u32 s8, $0xFFFFF086  }
0x1c: {  	p1 =	slt.u32 s9, $0xF7A;
	s5 =	simm.s32 @!p2 $0x0  }
0x1d: {  	s5 =	simm.s32 @p1 $0x1;
	p0 =	seq.s32 s7, s2  }
0x1e: {  	s7 =	smul.u32 @!p0 $0xF7A, s2;
	p2 =	seq.s32 @!p0 s5, $0x0  }
0x1f: {  	s9 =	smul.u32 $0xF7A, s1;
	s8 =	simm.s32 @!p0 $0x1BF5;
	p2 =	por !p2, p0  }
0x20: {  	[sflag:s8] =	ssyncset.s32 @!p0 $0xFFFFF086;
	s6 =	sadd.s32 @!p0 s3, s7;
	s7 =	simm.s32 @!p0 $0x108  }
0x21: {  	s3 =	sadd.s32 s3, s9;
	s6 =	sadd.s32 @!p0 $0x88, s6;
	s7 =	simm.s32 @p2 $0x1082  }
0x22: {  	[simem:s7], [sflag:s8] =	dma.local @!p0 [hbm:s6], $0xF7A  }
0x23: {  	s9 =	sor.u32 $0xD0000000, s2;
	s6 =	simm.s32 $0x108;
	_ =	swait.ge @!p0 [sflag:s8], $0x0  }
0x24: {  	s3 =	sadd.s32 $0x88, s3;
	s6 =	simm.s32 @!p1 $0x1082;
	[sflag:s4] =	ssyncset.s32 $0xFFFFF086  }
0x25: {  	[simem:s6], [sflag:s4] =	dma.local [hbm:s3], $0xF7A  }
0x26: {  	[smem:$0x3F9E] =	sst s1;
	(tag) =	ssettag s2;
	_ =	strace s9  }
0x27: {  	s1 =	sld [smem:$0x3FAE]  }
0x28: {  	s2 =	sld [smem:$0x3FAF]  }
0x29: {  	s4 =	sld [smem:$0x3FB1]  }
0x2a: {  	p0 =	seq.s32 s5, $0x0;
	s5 =	sld [smem:$0x3FB2]  }
0x2b: {  	s6 =	sld [smem:$0x3FB3]  }
0x2c: {  	s7 =	sld [smem:$0x3FB4]  }
0x2d: {  	s3 =	simm.s32 $0x108;
	s8 =	sld [smem:$0x3FB5]  }
0x2e: {  	s3 =	simm.s32 @!p0 $0x1082;
	s9 =	sld [smem:$0x3FB6]  }
0x2f: {  	lr =	sadd.s32 s0, s3;
	s0 =	sld [smem:$0x3FAD]  }
0x30: {  	s3 =	sld [smem:$0x3FB0]  }
0x31: {  	[smem:$0x3FB9] =	sst s10  }
0x32: {  	s10 =	sld [smem:$0x3FB7];
	_ =	sdelay $0x3  }
0x33: {  	p0 =	seq.s32 s10, $0x1;
	s10 =	sld [smem:$0x3FB9];
	_ =	sdelay $0x3  }
0x34: {  	[smem:$0x3FB9] =	sst s10  }
0x35: {  	s10 =	sld [smem:$0x3FB8];
	_ =	sdelay $0x3  }
0x36: {  	p1 =	seq.s32 s10, $0x1;
	s10 =	sld [smem:$0x3FB9];
	_ =	sdelay $0x3  }
0x37: {  	[smem:$0x3FB9] =	sst s10  }
0x38: {  	s10 =	sld [smem:$0x3FBA]  }
0x39: {  	_ = 	snop;
	(pc) =	sbr.ind lr, $3  }
0x3a: {  	_ = 	snop  }
0x3b: {  	_ = 	snop  }
0x3c: {  	p2 =	seq.s32 s10, $0x1;
	s10 =	sld [smem:$0x3FB9]  }
0x3d: {  	_ =	shalt  }
0x3e: {  	_ =	shalt  }
0x3f: {  	_ =	shalt  }
0x40: {  	_ =	shalt  }
0x41: {  	_ =	shalt  }
0x42: {  	_ =	shalt  }
0x43: {  	_ =	shalt  }
0x44: {  	_ =	shalt  }
0x45: {  	_ =	shalt  }
0x46: {  	_ =	shalt  }
0x47: {  	_ =	shalt  }
0x48: {  	_ =	shalt  }
0x49: {  	_ =	shalt  }
0x4a: {  	_ =	shalt  }
0x4b: {  	_ =	shalt  }
0x4c: {  	_ =	shalt  }
0x4d: {  	_ =	shalt  }
0x4e: {  	_ =	shalt  }
0x4f: {  	_ =	shalt  }
0x50: {  	_ =	shalt  }
0x51: {  	_ =	shalt  }
0x52: {  	_ =	shalt  }
0x53: {  	_ =	shalt  }
0x54: {  	_ =	shalt  }
0x55: {  	_ =	shalt  }
0x56: {  	_ =	shalt  }
0x57: {  	_ =	shalt  }
0x58: {  	_ =	shalt  }
0x59: {  	_ =	shalt  }
0x5a: {  	_ =	shalt  }
0x5b: {  	_ =	shalt  }
0x5c: {  	_ =	shalt  }
0x5d: {  	_ =	shalt  }
0x5e: {  	_ =	shalt  }
0x5f: {  	_ =	shalt  }
0x60: {  	_ =	shalt  }
0x61: {  	_ =	shalt  }
0x62: {  	_ =	shalt  }
0x63: {  	_ =	shalt  }
0x64: {  	_ =	shalt  }
0x65: {  	_ =	shalt  }
0x66: {  	_ =	shalt  }
0x67: {  	_ =	shalt  }
0x68: {  	_ =	shalt  }
0x69: {  	_ =	shalt  }
0x6a: {  	_ =	shalt  }
0x6b: {  	_ =	shalt  }
0x6c: {  	_ =	shalt  }
0x6d: {  	_ =	shalt  }
0x6e: {  	_ =	shalt  }
0x6f: {  	_ =	shalt  }
0x70: {  	_ =	shalt  }
0x71: {  	_ =	shalt  }
0x72: {  	_ =	shalt  }
0x73: {  	_ =	shalt  }
0x74: {  	_ =	shalt  }
0x75: {  	_ =	shalt  }
0x76: {  	_ =	shalt  }
0x77: {  	_ =	shalt  }
0x78: {  	_ =	shalt  }
0x79: {  	_ =	shalt  }
0x7a: {  	_ =	shalt  }
0x7b: {  	_ =	shalt  }
0x7c: {  	_ =	shalt  }
0x7d: {  	_ =	shalt  }
0x7e: {  	_ =	shalt  }
0x7f: {  	_ =	shalt  }
0x80: {  	_ =	shalt  }
0x81: {  	_ =	shalt  }
0x82: {  	_ =	shalt  }
0x83: {  	_ =	shalt  }
0x84: {  	_ =	shalt  }
0x85: {  	_ =	shalt  }
0x86: {  	_ =	shalt  }
0x87: {  	_ =	shalt  }
.Lfunc_end0:
.L_simem_size_0:
called_computation_lowered:
.L_overlay_start_0:
0x88: {  	s2 =	sld [smem:$0x3FD9]  }
0x89: {  	s3 =	sld [smem:$0x3FFE];
	_ =	sdelay $0x1  }
0x8a: {  	s1 =	srdreg.scid  }
0x8b: {  	s0 =	sand.u32 $0x1, s1  }
0x8c: {  	s17 =	sshll.u32 s0, $0xA;
	s2 =	sadd.s32 s3, s2  }
0x8d: {  	s2 =	sadd.s32 s2, s17  }
0x8e: {  	[smem:$0x3FC5] =	sst s2  }
0x8f: {  	_ = 	snop  }
0x90: {  	s2 =	sld [smem:$0x3FD0];
	(tm) =	ssettm $0x1  }
0x91: {  	s18 =	sld [smem:$0x3FFB];
	_ =	sdelay $0x3  }
0x92: {  	_ =	strace s18  }
0x93: {  	s3 =	sld [smem:$0x3FFC];
	_ =	sdelay $0x3  }
0x94: {  	_ =	strace s3  }
0x95: {  	s3 =	sld [smem:$0x3FFD];
	_ =	sdelay $0x3  }
0x96: {  	_ =	strace s3  }
0x97: {  	_ =	strace $0x8FFFFFFF  }
0x98: {  	s19 =	sld [smem:$0x3FDB];
	_ =	sdelay $0x1  }
0x99: {  	s4 =	simm.s32 $_scs_section_size  }
0x9a: {  	s5 =	simm.s32 $_size__tile_overlayer_lowered;
	s6 =	simm.s32 $_tile_overlayer_lowered  }
0x9b: {  	s22 =	simm.s32 $0x1BFF;
	s21 =	sshll.u32 s6, $0x1;
	s3 =	sadd.s32 s4, s19  }
0x9c: {  	s7 =	simm.s32 $0x0;
	s20 =	sshll.u32 s5, $0x1;
	s5 =	sadd.s32 s21, s3  }
0x9d: {  	[timem:s7], [sflag:s22] =	dma.local [hbm:s5], s20  }
0x9e: {  	_ =	swait.ge [sflag:s22], s20  }
0x9f: {  	s4 =	ssub.s32 $0x0, s20;
	[sflag:s22] =	ssyncset.done $0x0  }
0xa0: {  	[sflag:s22] =	ssyncadd.s32 s4;
	_ =	sdelay $0x1  }
0xa1: {  	s23 =	simm.s32 $0x1B8B  }
0xa2: {  	_ =	swait.ge [sflag:s23], $0x1  }
0xa3: {  	[sflag:s23] =	ssyncset.done $0x0  }
0xa4: {  	s25 =	simm.s32 $0x1B8E;
	s24 =	sld [smem:$0x3FFE];
	[sflag:s23] =	ssyncadd.s32 $0xFFFFFFFF  }
0xa5: {  	s26 =	simm.s32 $execute0_lowered;
	[smem:$0x3FD2] =	sst s25  }
0xa6: {  	s5 =	sshll.u32 s26, $0x1;
	_ =	strace $0x80000046;
	[dreg:$0x1] =	wrdreg $0xFFFFFFFF  }
0xa7: {  	s28 =	simm.s32 $_size_execute0_lowered;
	s3 =	sadd.s32 s3, s5;
	[dreg:$0x0] =	wrdreg $0x0  }
0xa8: {  	s5 =	sshll.u32 s28, $0x1;
	[dreg:$0x2] =	wrdreg s3  }
0xa9: {  	[dreg:$0x3] =	wrdreg s5  }
0xaa: {  	[dreg:$0x4] =	wrdreg $0xC0  }
0xab: {  	_ =	task [dreg:s7], $0x5FFFF  }
0xac: {  	[dreg:$0x1] =	wrdreg $0xFFFFFFFF  }
0xad: {  	[dreg:$0x0] =	wrdreg $0x60  }
0xae: {  	[dreg:$0x2] =	wrdreg s24  }
0xaf: {  	[dreg:$0x3] =	wrdreg s2  }
0xb0: {  	[dreg:$0x4] =	wrdreg $0x9  }
0xb1: {  	_ =	task.clear_ibuf [dreg:s7], $0x5FFFF;
	_ =	strace $0x90000046  }
0xb2: {  	s29 =	simm.s32 $0x9;
	_ =	strace $0x80000048  }
0xb3: {  	_ =	swait.ge [sflag:s29], $0x1  }
0xb4: {  	[sflag:s29] =	ssyncadd.s32 $0xFFFFFFFF  }
0xb5: {  	_ =	strace $0x90000048  }
0xb6: {  	_ =	sfence  }
0xb7: {  	s30 =	sld [smem:$0x0];
	_ =	sdelay $0x2  }
0xb8: {  	s31 =	sshll.u32 s1, $0xD;
	s1 =	sshrl.u32 s1, $0x2  }
0xb9: {  	s3 =	sand.u32 $0x4000, s31;
	s1 =	sadd.s32 s1, s30  }
0xba: {  	s0 =	sor.u32 s3, s0;
	s1 =	sshll.u32 s1, $0x11  }
0xbb: {  	s0 =	sor.u32 s1, s0  }
0xbc: {  	s0 =	sadd.s32 $0x8F2B, s0  }
0xbd: {  	[sflag:s0] =	ssyncadd.remote.s32 $0x1  }
0xbe: {  	_ =	sfence.sel $0xFFFF  }
0xbf: {  	[dreg:$0x0] =	wrdreg $0xFFFFFFFF;
	(pc) =	sbr.abs _section_cstart, $3  }
0xc0: {  	[dreg:$0x1] =	wrdreg $0xFFFFFFFF  }
0xc1: {  	_ =	task.clear_ibuf [dreg:s7], $0x2FFFF;
	_ =	strace $0x9FFFFFFF  }
0xc2: {  	(tm) =	ssettm $0x7FFFFFFF  }
0xc3: {  	_ =	shalt  }
tec
execute0_lowered:
.L_overlay_start_1:
0x0: {  	(tag) =	ssettag $0x1  }
0x1: {  	s0 =	srdreg.scid  }
0x2: {  	s1 =	stileid.u32;
	s3 =	rddreg [dreg:$0x0]  }
0x3: {  	s4 =	rddreg [dreg:$0x1];
	s28 =	simm.s32 $0x0;
	s31 =	simm.s32 $0x5  }
0x4: {  	s14 =	simm.s32 $0xA00;
	s15 =	simm.s32 $0x5A00;
	s10 =	simm.s32 $0xAA00  }
0x5: {  	s11 =	simm.s32 $0xFA00;
	s17 =	simm.s32 $0x1;
	s12 =	simm.s32 $0x40  }
0x6: {  	s13 =	simm.s32 $0x80;
	s0 =	sand.u32 $0x1, s0;
	s1 =	sshll.u32 s1, $0x1  }
0x7: {  	s5 =	simm.s32 $0x3;
	s30 =	simm.s32 $0x280;
	s1 =	sor.u32 s0, s1  }
0x8: {  	s16 =	simm.s32 $0x2;
	p0 =	por $0x0, $0x0;
	s2 =	smul.u32 $0x140, s1  }
0x9: {  	s29 =	simm.s32 $0x3C0;
	[smem:$0x7FF] =	sst s28;
	s1 =	smul.u32 $0x50000, s1  }
0xa: {  	s6 =	simm.s32 $0x4;
	s9 =	sadd.s32 $0x188C00, s3;
	_ =	strace $0x80000047  }
0xb: {  	s0 =	ssub.s32 $0x2, s0;
	s2 =	sadd.s32 s2, s3;
	s1 =	sshrl.u32 s1, $0x3  }
0xc: {  	s24 =	sshrl.u32 s0, $0x1;
	s2 =	sadd.s32 $0x2200, s2;
	s25 =	sadd.s32 s4, s1  }
0xd: {  	s0 =	ssub.s32 s0, s24;
	[dreg:$0x3] =	wrdreg s2;
	s1 =	sadd.s32 $0x8, s25  }
0xe: {  	s24 =	simm.s32 $0x640;
	s18 =	sadd.s32 $0x1400, s25;
	[dreg:$0x4] =	wrdreg s1  }
0xf: {  	s0 =	smax.u32 s0, $0x1;
	s19 =	sadd.s32 $0x1408, s25;
	[dreg:$0x5] =	wrdreg s18  }
0x10: {  	p1 =	sne.s32 s0, $0x1;
	s20 =	sadd.s32 $0x2800, s25;
	[dreg:$0x6] =	wrdreg s19  }
0x11: {  	s21 =	sadd.s32 $0x2808, s25;
	s2 =	sadd.s32 $0x24C200, s3;
	[dreg:$0x7] =	wrdreg s20  }
0x12: {  	s22 =	sadd.s32 $0x3C00, s25;
	s23 =	sadd.s32 $0x3C08, s25;
	[dreg:$0x8] =	wrdreg s21  }
0x13: {  	s26 =	sadd.s32 $0x5000, s25;
	s7 =	sadd.s32 $0x7800, s25;
	[dreg:$0x9] =	wrdreg s22  }
.Ltmp0:
0x14: {  	s8 =	sadd.s32 $0x7808, s25;
	[dreg:$0xa] =	wrdreg s23;
	(pc) =	sbr.rel @!p1 .LBB2_3-.Ltmp0, $4  }
0x15: {  	s3 =	sadd.s32 $0x8C00, s25;
	s4 =	sadd.s32 $0x8C08, s25;
	[dreg:$0xb] =	wrdreg s26  }
0x16: {  	s21 =	sadd.s32 $0x5008, s25;
	s19 =	sadd.s32 $0x6400, s25;
	s20 =	sadd.s32 $0x6408, s25  }
0x17: {  	s18 =	simm.s32 $0x140;
	s1 =	sadd.s32 $0xFFFFFFFF, s0;
	s26 =	simm.s32 $0x500  }
0x18: {  	s23 =	simm.s32 $0x780;
	s22 =	simm.s32 $0x8C0;
	s0 =	rddreg [dreg:$0x3]  }
0x19: {  	[tilespmem:s28], [sflag:$0x5] =	stream.linear.gather [hbm4b:s0+s28], $0xA00, $0x38;
	[tilespmem:$0x14A00] =	vst v63  }
0x1a: {  	_ =	swait.ge [sflag:s31], $0xA00  }
0x1b: {  	[sflag:s31] =	ssyncset.done $0x0  }
0x1c: {  	[sflag:s31] =	ssyncadd.s32 $0xFFFFF600  }
0x1d: {  	[tilespmem:s14], [sflag:$0x1] =	stream.indirect.gather [hbm4b:s2+s18], $0x40, s28, s18, $0xb8;
	[tilespmem:$0x14A00] =	vst v63  }
0x1e: {  	_ = 	snop  }
0x1f: {  	[tilespmem:s15], [sflag:$0x1] =	stream.indirect.gather [hbm4b:s9+s18], $0x40, s28, s18, $0xb8;
	[tilespmem:$0x14A00] =	vst v63  }
0x20: {  	_ = 	snop  }
0x21: {  	[tilespmem:s10], [sflag:$0x2] =	stream.indirect.gather [hbm4b:s2+s18], $0x40, s18, s18, $0xb8;
	[tilespmem:$0x14A00] =	vst v63  }
0x22: {  	_ = 	snop  }
0x23: {  	[tilespmem:s11], [sflag:$0x2] =	stream.indirect.gather [hbm4b:s9+s18], $0x40, s18, s18, $0xb8;
	[tilespmem:$0x14A00] =	vst v63  }
0x24: {  	_ =	swait.ge [sflag:s17], $0x5000  }
0x25: {  	[sflag:s17] =	ssyncset.done $0x0  }
0x26: {  	[sflag:s17] =	ssyncadd.s32 $0xFFFFB000  }
0x27: {  	_ =	swait.ge [sflag:s17], $0x5000  }
0x28: {  	[sflag:s17] =	ssyncset.done $0x0  }
0x29: {  	[sflag:s17] =	ssyncadd.s32 $0xFFFFB000  }
0x2a: {  	[hbm4b:s25+s12] =	stream.strided.scatter [tilespmem:s14], [sflag:$0x3], $0x5000, s13, s12, $0x38;
	[tilespmem:$0x14A00] =	vst v63  }
0x2b: {  	s0 =	rddreg [dreg:$0x4]  }
0x2c: {  	[hbm4b:s0+s12] =	stream.strided.scatter [tilespmem:s15], [sflag:$0x3], $0x5000, s13, s12, $0x38;
	[tilespmem:$0x14A00] =	vst v63  }
0x2d: {  	_ =	swait.ge [sflag:s5], $0x5000  }
0x2e: {  	[sflag:s5] =	ssyncset.done $0x0  }
0x2f: {  	[sflag:s5] =	ssyncadd.s32 $0xFFFFB000  }
0x30: {  	_ =	swait.ge [sflag:s5], $0x5000  }
0x31: {  	[sflag:s5] =	ssyncset.done $0x0  }
0x32: {  	[sflag:s5] =	ssyncadd.s32 $0xFFFFB000  }
0x33: {  	[tilespmem:s14], [sflag:$0x1] =	stream.indirect.gather [hbm4b:s2+s18], $0x40, s30, s18, $0xb8;
	[tilespmem:$0x14A00] =	vst v63  }
0x34: {  	_ = 	snop  }
0x35: {  	[tilespmem:s15], [sflag:$0x1] =	stream.indirect.gather [hbm4b:s9+s18], $0x40, s30, s18, $0xb8;
	[tilespmem:$0x14A00] =	vst v63  }
0x36: {  	_ =	swait.ge [sflag:s16], $0x5000  }
0x37: {  	[sflag:s16] =	ssyncset.done $0x0  }
0x38: {  	[sflag:s16] =	ssyncadd.s32 $0xFFFFB000  }
0x39: {  	_ =	swait.ge [sflag:s16], $0x5000  }
0x3a: {  	[dreg:$0xc] =	wrdreg s1;
	[sflag:s16] =	ssyncset.done $0x0  }
0x3b: {  	s0 =	rddreg [dreg:$0x5];
	[sflag:s16] =	ssyncadd.s32 $0xFFFFB000  }
0x3c: {  	[hbm4b:s0+s12] =	stream.strided.scatter [tilespmem:s10], [sflag:$0x4], $0x5000, s13, s12, $0x38;
	[tilespmem:$0x14A00] =	vst v63  }
0x3d: {  	s1 =	rddreg [dreg:$0x6]  }
0x3e: {  	[hbm4b:s1+s12] =	stream.strided.scatter [tilespmem:s11], [sflag:$0x4], $0x5000, s13, s12, $0x38;
	[tilespmem:$0x14A00] =	vst v63  }
0x3f: {  	_ =	swait.ge [sflag:s6], $0x5000  }
0x40: {  	[sflag:s6] =	ssyncset.done $0x0  }
0x41: {  	[sflag:s6] =	ssyncadd.s32 $0xFFFFB000  }
0x42: {  	_ =	swait.ge [sflag:s6], $0x5000  }
0x43: {  	[sflag:s6] =	ssyncset.done $0x0  }
0x44: {  	[sflag:s6] =	ssyncadd.s32 $0xFFFFB000  }
0x45: {  	[tilespmem:s10], [sflag:$0x2] =	stream.indirect.gather [hbm4b:s2+s18], $0x40, s29, s18, $0xb8;
	[tilespmem:$0x14A00] =	vst v63  }
0x46: {  	_ = 	snop  }
0x47: {  	[tilespmem:s11], [sflag:$0x2] =	stream.indirect.gather [hbm4b:s9+s18], $0x40, s29, s18, $0xb8;
	[tilespmem:$0x14A00] =	vst v63  }
0x48: {  	_ =	swait.ge [sflag:s17], $0x5000  }
0x49: {  	[sflag:s17] =	ssyncset.done $0x0  }
0x4a: {  	[sflag:s17] =	ssyncadd.s32 $0xFFFFB000  }
0x4b: {  	_ =	swait.ge [sflag:s17], $0x5000  }
0x4c: {  	[sflag:s17] =	ssyncset.done $0x0  }
0x4d: {  	s0 =	rddreg [dreg:$0x7];
	[sflag:s17] =	ssyncadd.s32 $0xFFFFB000  }
0x4e: {  	[hbm4b:s0+s12] =	stream.strided.scatter [tilespmem:s14], [sflag:$0x3], $0x5000, s13, s12, $0x38;
	[tilespmem:$0x14A00] =	vst v63  }
0x4f: {  	s1 =	rddreg [dreg:$0x8]  }
0x50: {  	[hbm4b:s1+s12] =	stream.strided.scatter [tilespmem:s15], [sflag:$0x3], $0x5000, s13, s12, $0x38;
	[tilespmem:$0x14A00] =	vst v63  }
0x51: {  	_ =	swait.ge [sflag:s5], $0x5000  }
0x52: {  	[sflag:s5] =	ssyncset.done $0x0  }
0x53: {  	[sflag:s5] =	ssyncadd.s32 $0xFFFFB000  }
0x54: {  	_ =	swait.ge [sflag:s5], $0x5000  }
0x55: {  	[sflag:s5] =	ssyncset.done $0x0  }
0x56: {  	[sflag:s5] =	ssyncadd.s32 $0xFFFFB000  }
0x57: {  	[tilespmem:s14], [sflag:$0x1] =	stream.indirect.gather [hbm4b:s2+s18], $0x40, s26, s18, $0xb8;
	[tilespmem:$0x14A00] =	vst v63  }
0x58: {  	_ = 	snop  }
0x59: {  	[tilespmem:s15], [sflag:$0x1] =	stream.indirect.gather [hbm4b:s9+s18], $0x40, s26, s18, $0xb8;
	[tilespmem:$0x14A00] =	vst v63  }
0x5a: {  	_ =	swait.ge [sflag:s16], $0x5000  }
0x5b: {  	[sflag:s16] =	ssyncset.done $0x0  }
0x5c: {  	[sflag:s16] =	ssyncadd.s32 $0xFFFFB000  }
0x5d: {  	_ =	swait.ge [sflag:s16], $0x5000  }
0x5e: {  	[sflag:s16] =	ssyncset.done $0x0  }
0x5f: {  	s0 =	rddreg [dreg:$0x9];
	[sflag:s16] =	ssyncadd.s32 $0xFFFFB000  }
0x60: {  	[hbm4b:s0+s12] =	stream.strided.scatter [tilespmem:s10], [sflag:$0x4], $0x5000, s13, s12, $0x38;
	[tilespmem:$0x14A00] =	vst v63  }
0x61: {  	s1 =	rddreg [dreg:$0xa]  }
0x62: {  	[hbm4b:s1+s12] =	stream.strided.scatter [tilespmem:s11], [sflag:$0x4], $0x5000, s13, s12, $0x38;
	[tilespmem:$0x14A00] =	vst v63  }
0x63: {  	_ =	swait.ge [sflag:s6], $0x5000  }
0x64: {  	[sflag:s6] =	ssyncset.done $0x0  }
0x65: {  	[sflag:s6] =	ssyncadd.s32 $0xFFFFB000  }
0x66: {  	_ =	swait.ge [sflag:s6], $0x5000  }
0x67: {  	[sflag:s6] =	ssyncset.done $0x0  }
0x68: {  	[sflag:s6] =	ssyncadd.s32 $0xFFFFB000  }
0x69: {  	[tilespmem:s10], [sflag:$0x2] =	stream.indirect.gather [hbm4b:s2+s18], $0x40, s24, s18, $0xb8;
	[tilespmem:$0x14A00] =	vst v63  }
0x6a: {  	_ = 	snop  }
0x6b: {  	[tilespmem:s11], [sflag:$0x2] =	stream.indirect.gather [hbm4b:s9+s18], $0x40, s24, s18, $0xb8;
	[tilespmem:$0x14A00] =	vst v63  }
0x6c: {  	_ =	swait.ge [sflag:s17], $0x5000  }
0x6d: {  	[sflag:s17] =	ssyncset.done $0x0  }
0x6e: {  	[sflag:s17] =	ssyncadd.s32 $0xFFFFB000  }
0x6f: {  	_ =	swait.ge [sflag:s17], $0x5000  }
0x70: {  	[sflag:s17] =	ssyncset.done $0x0  }
0x71: {  	s1 =	rddreg [dreg:$0xb];
	[sflag:s17] =	ssyncadd.s32 $0xFFFFB000  }
0x72: {  	[hbm4b:s1+s12] =	stream.strided.scatter [tilespmem:s14], [sflag:$0x3], $0x5000, s13, s12, $0x38;
	[tilespmem:$0x14A00] =	vst v63  }
0x73: {  	_ = 	snop  }
0x74: {  	[hbm4b:s21+s12] =	stream.strided.scatter [tilespmem:s15], [sflag:$0x3], $0x5000, s13, s12, $0x38;
	[tilespmem:$0x14A00] =	vst v63  }
0x75: {  	_ =	swait.ge [sflag:s5], $0x5000  }
0x76: {  	[sflag:s5] =	ssyncset.done $0x0  }
0x77: {  	[sflag:s5] =	ssyncadd.s32 $0xFFFFB000  }
0x78: {  	_ =	swait.ge [sflag:s5], $0x5000  }
0x79: {  	[sflag:s5] =	ssyncset.done $0x0  }
0x7a: {  	[sflag:s5] =	ssyncadd.s32 $0xFFFFB000  }
0x7b: {  	[tilespmem:s14], [sflag:$0x1] =	stream.indirect.gather [hbm4b:s2+s18], $0x40, s23, s18, $0xb8;
	[tilespmem:$0x14A00] =	vst v63  }
0x7c: {  	_ = 	snop  }
0x7d: {  	[tilespmem:s15], [sflag:$0x1] =	stream.indirect.gather [hbm4b:s9+s18], $0x40, s23, s18, $0xb8;
	[tilespmem:$0x14A00] =	vst v63  }
0x7e: {  	_ =	swait.ge [sflag:s16], $0x5000  }
0x7f: {  	[sflag:s16] =	ssyncset.done $0x0  }
0x80: {  	[sflag:s16] =	ssyncadd.s32 $0xFFFFB000  }
0x81: {  	_ =	swait.ge [sflag:s16], $0x5000  }
0x82: {  	[sflag:s16] =	ssyncset.done $0x0  }
0x83: {  	[sflag:s16] =	ssyncadd.s32 $0xFFFFB000  }
0x84: {  	[hbm4b:s19+s12] =	stream.strided.scatter [tilespmem:s10], [sflag:$0x4], $0x5000, s13, s12, $0x38;
	[tilespmem:$0x14A00] =	vst v63  }
0x85: {  	_ = 	snop  }
0x86: {  	[hbm4b:s20+s12] =	stream.strided.scatter [tilespmem:s11], [sflag:$0x4], $0x5000, s13, s12, $0x38;
	[tilespmem:$0x14A00] =	vst v63  }
0x87: {  	_ =	swait.ge [sflag:s6], $0x5000  }
0x88: {  	[sflag:s6] =	ssyncset.done $0x0  }
0x89: {  	[sflag:s6] =	ssyncadd.s32 $0xFFFFB000  }
0x8a: {  	_ =	swait.ge [sflag:s6], $0x5000  }
0x8b: {  	[sflag:s6] =	ssyncset.done $0x0  }
0x8c: {  	[sflag:s6] =	ssyncadd.s32 $0xFFFFB000  }
0x8d: {  	[tilespmem:s10], [sflag:$0x2] =	stream.indirect.gather [hbm4b:s2+s18], $0x40, s22, s18, $0xb8;
	[tilespmem:$0x14A00] =	vst v63  }
0x8e: {  	_ = 	snop  }
0x8f: {  	[tilespmem:s11], [sflag:$0x2] =	stream.indirect.gather [hbm4b:s9+s18], $0x40, s22, s18, $0xb8;
	[tilespmem:$0x14A00] =	vst v63  }
0x90: {  	_ =	swait.ge [sflag:s17], $0x5000  }
0x91: {  	[sflag:s17] =	ssyncset.done $0x0  }
0x92: {  	[sflag:s17] =	ssyncadd.s32 $0xFFFFB000  }
0x93: {  	_ =	swait.ge [sflag:s17], $0x5000  }
0x94: {  	[sflag:s17] =	ssyncset.done $0x0  }
0x95: {  	[sflag:s17] =	ssyncadd.s32 $0xFFFFB000  }
0x96: {  	[hbm4b:s7+s12] =	stream.strided.scatter [tilespmem:s14], [sflag:$0x3], $0x5000, s13, s12, $0x38;
	[tilespmem:$0x14A00] =	vst v63  }
0x97: {  	_ = 	snop  }
0x98: {  	[hbm4b:s8+s12] =	stream.strided.scatter [tilespmem:s15], [sflag:$0x3], $0x5000, s13, s12, $0x38;
	[tilespmem:$0x14A00] =	vst v63  }
0x99: {  	_ =	swait.ge [sflag:s16], $0x5000  }
0x9a: {  	[sflag:s16] =	ssyncset.done $0x0  }
0x9b: {  	[sflag:s16] =	ssyncadd.s32 $0xFFFFB000  }
0x9c: {  	_ =	swait.ge [sflag:s16], $0x5000  }
0x9d: {  	[sflag:s16] =	ssyncset.done $0x0  }
0x9e: {  	[sflag:s16] =	ssyncadd.s32 $0xFFFFB000  }
0x9f: {  	[hbm4b:s3+s12] =	stream.strided.scatter [tilespmem:s10], [sflag:$0x4], $0x5000, s13, s12, $0x38;
	[tilespmem:$0x14A00] =	vst v63  }
0xa0: {  	_ = 	snop  }
0xa1: {  	[hbm4b:s4+s12] =	stream.strided.scatter [tilespmem:s11], [sflag:$0x4], $0x5000, s13, s12, $0x38;
	[tilespmem:$0x14A00] =	vst v63  }
0xa2: {  	_ =	swait.ge [sflag:s5], $0x5000  }
0xa3: {  	[sflag:s5] =	ssyncset.done $0x0  }
0xa4: {  	[sflag:s5] =	ssyncadd.s32 $0xFFFFB000  }
0xa5: {  	_ =	swait.ge [sflag:s5], $0x5000  }
0xa6: {  	[sflag:s5] =	ssyncset.done $0x0  }
0xa7: {  	[sflag:s5] =	ssyncadd.s32 $0xFFFFB000  }
0xa8: {  	_ =	swait.ge [sflag:s6], $0x5000  }
0xa9: {  	s1 =	rddreg [dreg:$0xc]  }
0xaa: {  	p1 =	sne.s32 s1, $0x1  }
.Ltmp1:
0xab: {  	_ = 	snop;
	(pc) =	sbr.rel @!p1 .LBB2_3-.Ltmp1, $4  }
0xac: {  	[sflag:s6] =	ssyncset.done $0x0  }
0xad: {  	[sflag:s6] =	ssyncadd.s32 $0xFFFFB000  }
0xae: {  	p0 =	por $0x1, $0x1;
	_ =	swait.ge [sflag:s6], $0x5000  }
0xaf: {  	s1 =	sadd.s32 $0xFFFFFFFF, s1;
	s0 =	rddreg [dreg:$0x3];
	[sflag:s6] =	ssyncset.done $0x0  }
.LBB2_2:
0xb0: {  	[sflag:s6] =	ssyncadd.s32 $0xFFFFB000  }
0xb1: {  	[tilespmem:s28], [sflag:$0x5] =	stream.linear.gather [hbm4b:s0+s28], $0xA00, $0x38;
	[tilespmem:$0x14A00] =	vst v63  }
0xb2: {  	_ =	swait.ge [sflag:s31], $0xA00  }
0xb3: {  	[sflag:s31] =	ssyncset.done $0x0  }
0xb4: {  	[sflag:s31] =	ssyncadd.s32 $0xFFFFF600  }
0xb5: {  	[tilespmem:s14], [sflag:$0x1] =	stream.indirect.gather [hbm4b:s2+s18], $0x40, s28, s18, $0xb8;
	[tilespmem:$0x14A00] =	vst v63  }
0xb6: {  	_ = 	snop  }
0xb7: {  	[tilespmem:s15], [sflag:$0x1] =	stream.indirect.gather [hbm4b:s9+s18], $0x40, s28, s18, $0xb8;
	[tilespmem:$0x14A00] =	vst v63  }
0xb8: {  	_ = 	snop  }
0xb9: {  	[tilespmem:s10], [sflag:$0x2] =	stream.indirect.gather [hbm4b:s2+s18], $0x40, s18, s18, $0xb8;
	[tilespmem:$0x14A00] =	vst v63  }
0xba: {  	_ = 	snop  }
0xbb: {  	[tilespmem:s11], [sflag:$0x2] =	stream.indirect.gather [hbm4b:s9+s18], $0x40, s18, s18, $0xb8;
	[tilespmem:$0x14A00] =	vst v63  }
0xbc: {  	_ =	swait.ge [sflag:s17], $0x5000  }
0xbd: {  	[sflag:s17] =	ssyncset.done $0x0  }
0xbe: {  	[sflag:s17] =	ssyncadd.s32 $0xFFFFB000  }
0xbf: {  	_ =	swait.ge [sflag:s17], $0x5000  }
0xc0: {  	[sflag:s17] =	ssyncset.done $0x0  }
0xc1: {  	[sflag:s17] =	ssyncadd.s32 $0xFFFFB000  }
0xc2: {  	[hbm4b:s25+s12] =	stream.strided.scatter [tilespmem:s14], [sflag:$0x3], $0x5000, s13, s12, $0x38;
	[tilespmem:$0x14A00] =	vst v63  }
0xc3: {  	s22 =	rddreg [dreg:$0x4]  }
0xc4: {  	[hbm4b:s22+s12] =	stream.strided.scatter [tilespmem:s15], [sflag:$0x3], $0x5000, s13, s12, $0x38;
	[tilespmem:$0x14A00] =	vst v63  }
0xc5: {  	_ =	swait.ge [sflag:s5], $0x5000  }
0xc6: {  	[sflag:s5] =	ssyncset.done $0x0  }
0xc7: {  	[sflag:s5] =	ssyncadd.s32 $0xFFFFB000  }
0xc8: {  	_ =	swait.ge [sflag:s5], $0x5000  }
0xc9: {  	[sflag:s5] =	ssyncset.done $0x0  }
0xca: {  	[sflag:s5] =	ssyncadd.s32 $0xFFFFB000  }
0xcb: {  	[tilespmem:s14], [sflag:$0x1] =	stream.indirect.gather [hbm4b:s2+s18], $0x40, s30, s18, $0xb8;
	[tilespmem:$0x14A00] =	vst v63  }
0xcc: {  	_ = 	snop  }
0xcd: {  	[tilespmem:s15], [sflag:$0x1] =	stream.indirect.gather [hbm4b:s9+s18], $0x40, s30, s18, $0xb8;
	[tilespmem:$0x14A00] =	vst v63  }
0xce: {  	_ =	swait.ge [sflag:s16], $0x5000  }
0xcf: {  	[sflag:s16] =	ssyncset.done $0x0  }
0xd0: {  	[sflag:s16] =	ssyncadd.s32 $0xFFFFB000  }
0xd1: {  	s22 =	smov.u32 s21;
	s21 =	smov.u32 s20;
	_ =	swait.ge [sflag:s16], $0x5000  }
0xd2: {  	s20 =	smov.u32 s19;
	s19 =	smov.u32 s8;
	[sflag:s16] =	ssyncset.done $0x0  }
0xd3: {  	s8 =	smov.u32 s7;
	s0 =	rddreg [dreg:$0x5];
	[sflag:s16] =	ssyncadd.s32 $0xFFFFB000  }
0xd4: {  	[hbm4b:s0+s12] =	stream.strided.scatter [tilespmem:s10], [sflag:$0x4], $0x5000, s13, s12, $0x38;
	[tilespmem:$0x14A00] =	vst v63  }
0xd5: {  	s7 =	smov.u32 s4;
	s4 =	smov.u32 s3;
	s3 =	rddreg [dreg:$0x6]  }
0xd6: {  	[hbm4b:s3+s12] =	stream.strided.scatter [tilespmem:s11], [sflag:$0x4], $0x5000, s13, s12, $0x38;
	[tilespmem:$0x14A00] =	vst v63  }
0xd7: {  	_ =	swait.ge [sflag:s6], $0x5000  }
0xd8: {  	[sflag:s6] =	ssyncset.done $0x0  }
0xd9: {  	[sflag:s6] =	ssyncadd.s32 $0xFFFFB000  }
0xda: {  	_ =	swait.ge [sflag:s6], $0x5000  }
0xdb: {  	[sflag:s6] =	ssyncset.done $0x0  }
0xdc: {  	[sflag:s6] =	ssyncadd.s32 $0xFFFFB000  }
0xdd: {  	[tilespmem:s10], [sflag:$0x2] =	stream.indirect.gather [hbm4b:s2+s18], $0x40, s29, s18, $0xb8;
	[tilespmem:$0x14A00] =	vst v63  }
0xde: {  	_ = 	snop  }
0xdf: {  	[tilespmem:s11], [sflag:$0x2] =	stream.indirect.gather [hbm4b:s9+s18], $0x40, s29, s18, $0xb8;
	[tilespmem:$0x14A00] =	vst v63  }
0xe0: {  	_ =	swait.ge [sflag:s17], $0x5000  }
0xe1: {  	[sflag:s17] =	ssyncset.done $0x0  }
0xe2: {  	[sflag:s17] =	ssyncadd.s32 $0xFFFFB000  }
0xe3: {  	_ =	swait.ge [sflag:s17], $0x5000  }
0xe4: {  	[sflag:s17] =	ssyncset.done $0x0  }
0xe5: {  	s0 =	rddreg [dreg:$0x7];
	[sflag:s17] =	ssyncadd.s32 $0xFFFFB000  }
0xe6: {  	[hbm4b:s0+s12] =	stream.strided.scatter [tilespmem:s14], [sflag:$0x3], $0x5000, s13, s12, $0x38;
	[tilespmem:$0x14A00] =	vst v63  }
0xe7: {  	s3 =	rddreg [dreg:$0x8]  }
0xe8: {  	[hbm4b:s3+s12] =	stream.strided.scatter [tilespmem:s15], [sflag:$0x3], $0x5000, s13, s12, $0x38;
	[tilespmem:$0x14A00] =	vst v63  }
0xe9: {  	_ =	swait.ge [sflag:s5], $0x5000  }
0xea: {  	[sflag:s5] =	ssyncset.done $0x0  }
0xeb: {  	[sflag:s5] =	ssyncadd.s32 $0xFFFFB000  }
0xec: {  	_ =	swait.ge [sflag:s5], $0x5000  }
0xed: {  	[sflag:s5] =	ssyncset.done $0x0  }
0xee: {  	[sflag:s5] =	ssyncadd.s32 $0xFFFFB000  }
0xef: {  	[tilespmem:s14], [sflag:$0x1] =	stream.indirect.gather [hbm4b:s2+s18], $0x40, s26, s18, $0xb8;
	[tilespmem:$0x14A00] =	vst v63  }
0xf0: {  	_ = 	snop  }
0xf1: {  	[tilespmem:s15], [sflag:$0x1] =	stream.indirect.gather [hbm4b:s9+s18], $0x40, s26, s18, $0xb8;
	[tilespmem:$0x14A00] =	vst v63  }
0xf2: {  	_ =	swait.ge [sflag:s16], $0x5000  }
0xf3: {  	[sflag:s16] =	ssyncset.done $0x0  }
0xf4: {  	[sflag:s16] =	ssyncadd.s32 $0xFFFFB000  }
0xf5: {  	_ =	swait.ge [sflag:s16], $0x5000  }
0xf6: {  	[sflag:s16] =	ssyncset.done $0x0  }
0xf7: {  	s0 =	rddreg [dreg:$0x9];
	[sflag:s16] =	ssyncadd.s32 $0xFFFFB000  }
0xf8: {  	[hbm4b:s0+s12] =	stream.strided.scatter [tilespmem:s10], [sflag:$0x4], $0x5000, s13, s12, $0x38;
	[tilespmem:$0x14A00] =	vst v63  }
0xf9: {  	s3 =	rddreg [dreg:$0xa]  }
0xfa: {  	[hbm4b:s3+s12] =	stream.strided.scatter [tilespmem:s11], [sflag:$0x4], $0x5000, s13, s12, $0x38;
	[tilespmem:$0x14A00] =	vst v63  }
0xfb: {  	_ =	swait.ge [sflag:s6], $0x5000  }
0xfc: {  	[sflag:s6] =	ssyncset.done $0x0  }
0xfd: {  	[sflag:s6] =	ssyncadd.s32 $0xFFFFB000  }
0xfe: {  	_ =	swait.ge [sflag:s6], $0x5000  }
0xff: {  	[sflag:s6] =	ssyncset.done $0x0  }
0x100: {  	[sflag:s6] =	ssyncadd.s32 $0xFFFFB000  }
0x101: {  	[tilespmem:s10], [sflag:$0x2] =	stream.indirect.gather [hbm4b:s2+s18], $0x40, s24, s18, $0xb8;
	[tilespmem:$0x14A00] =	vst v63  }
0x102: {  	_ = 	snop  }
0x103: {  	[tilespmem:s11], [sflag:$0x2] =	stream.indirect.gather [hbm4b:s9+s18], $0x40, s24, s18, $0xb8;
	[tilespmem:$0x14A00] =	vst v63  }
0x104: {  	_ =	swait.ge [sflag:s17], $0x5000  }
0x105: {  	[sflag:s17] =	ssyncset.done $0x0  }
0x106: {  	[sflag:s17] =	ssyncadd.s32 $0xFFFFB000  }
0x107: {  	s3 =	smov.u32 s4;
	_ =	swait.ge [sflag:s17], $0x5000  }
0x108: {  	s4 =	smov.u32 s7;
	s7 =	smov.u32 s8;
	[sflag:s17] =	ssyncset.done $0x0  }
0x109: {  	s8 =	smov.u32 s19;
	s0 =	rddreg [dreg:$0xb];
	[sflag:s17] =	ssyncadd.s32 $0xFFFFB000  }
0x10a: {  	[hbm4b:s0+s12] =	stream.strided.scatter [tilespmem:s14], [sflag:$0x3], $0x5000, s13, s12, $0x38;
	[tilespmem:$0x14A00] =	vst v63  }
0x10b: {  	s19 =	smov.u32 s20;
	s20 =	smov.u32 s21;
	s21 =	smov.u32 s22  }
0x10c: {  	[hbm4b:s21+s12] =	stream.strided.scatter [tilespmem:s15], [sflag:$0x3], $0x5000, s13, s12, $0x38;
	[tilespmem:$0x14A00] =	vst v63  }
0x10d: {  	_ =	swait.ge [sflag:s5], $0x5000  }
0x10e: {  	[sflag:s5] =	ssyncset.done $0x0  }
0x10f: {  	[sflag:s5] =	ssyncadd.s32 $0xFFFFB000  }
0x110: {  	_ =	swait.ge [sflag:s5], $0x5000  }
0x111: {  	[sflag:s5] =	ssyncset.done $0x0  }
0x112: {  	[sflag:s5] =	ssyncadd.s32 $0xFFFFB000  }
0x113: {  	[tilespmem:s14], [sflag:$0x1] =	stream.indirect.gather [hbm4b:s2+s18], $0x40, s23, s18, $0xb8;
	[tilespmem:$0x14A00] =	vst v63  }
0x114: {  	_ = 	snop  }
0x115: {  	[tilespmem:s15], [sflag:$0x1] =	stream.indirect.gather [hbm4b:s9+s18], $0x40, s23, s18, $0xb8;
	[tilespmem:$0x14A00] =	vst v63  }
0x116: {  	_ =	swait.ge [sflag:s16], $0x5000  }
0x117: {  	[sflag:s16] =	ssyncset.done $0x0  }
0x118: {  	[sflag:s16] =	ssyncadd.s32 $0xFFFFB000  }
0x119: {  	_ =	swait.ge [sflag:s16], $0x5000  }
0x11a: {  	[sflag:s16] =	ssyncset.done $0x0  }
0x11b: {  	[sflag:s16] =	ssyncadd.s32 $0xFFFFB000  }
0x11c: {  	[hbm4b:s19+s12] =	stream.strided.scatter [tilespmem:s10], [sflag:$0x4], $0x5000, s13, s12, $0x38;
	[tilespmem:$0x14A00] =	vst v63  }
0x11d: {  	_ = 	snop  }
0x11e: {  	[hbm4b:s20+s12] =	stream.strided.scatter [tilespmem:s11], [sflag:$0x4], $0x5000, s13, s12, $0x38;
	[tilespmem:$0x14A00] =	vst v63  }
0x11f: {  	_ =	swait.ge [sflag:s6], $0x5000  }
0x120: {  	[sflag:s6] =	ssyncset.done $0x0  }
0x121: {  	[sflag:s6] =	ssyncadd.s32 $0xFFFFB000  }
0x122: {  	_ =	swait.ge [sflag:s6], $0x5000  }
0x123: {  	[sflag:s6] =	ssyncset.done $0x0  }
0x124: {  	s22 =	simm.s32 $0x8C0;
	[sflag:s6] =	ssyncadd.s32 $0xFFFFB000  }
0x125: {  	[tilespmem:s10], [sflag:$0x2] =	stream.indirect.gather [hbm4b:s2+s18], $0x40, s22, s18, $0xb8;
	[tilespmem:$0x14A00] =	vst v63  }
0x126: {  	_ = 	snop  }
0x127: {  	[tilespmem:s11], [sflag:$0x2] =	stream.indirect.gather [hbm4b:s9+s18], $0x40, s22, s18, $0xb8;
	[tilespmem:$0x14A00] =	vst v63  }
0x128: {  	_ =	swait.ge [sflag:s17], $0x5000  }
0x129: {  	[sflag:s17] =	ssyncset.done $0x0  }
0x12a: {  	[sflag:s17] =	ssyncadd.s32 $0xFFFFB000  }
0x12b: {  	_ =	swait.ge [sflag:s17], $0x5000  }
0x12c: {  	[sflag:s17] =	ssyncset.done $0x0  }
0x12d: {  	[sflag:s17] =	ssyncadd.s32 $0xFFFFB000  }
0x12e: {  	[hbm4b:s7+s12] =	stream.strided.scatter [tilespmem:s14], [sflag:$0x3], $0x5000, s13, s12, $0x38;
	[tilespmem:$0x14A00] =	vst v63  }
0x12f: {  	_ = 	snop  }
0x130: {  	[hbm4b:s8+s12] =	stream.strided.scatter [tilespmem:s15], [sflag:$0x3], $0x5000, s13, s12, $0x38;
	[tilespmem:$0x14A00] =	vst v63  }
0x131: {  	_ =	swait.ge [sflag:s16], $0x5000  }
0x132: {  	[sflag:s16] =	ssyncset.done $0x0  }
0x133: {  	[sflag:s16] =	ssyncadd.s32 $0xFFFFB000  }
0x134: {  	_ =	swait.ge [sflag:s16], $0x5000  }
0x135: {  	[sflag:s16] =	ssyncset.done $0x0  }
0x136: {  	[sflag:s16] =	ssyncadd.s32 $0xFFFFB000  }
0x137: {  	[hbm4b:s3+s12] =	stream.strided.scatter [tilespmem:s10], [sflag:$0x4], $0x5000, s13, s12, $0x38;
	[tilespmem:$0x14A00] =	vst v63  }
0x138: {  	_ = 	snop  }
0x139: {  	[hbm4b:s4+s12] =	stream.strided.scatter [tilespmem:s11], [sflag:$0x4], $0x5000, s13, s12, $0x38;
	[tilespmem:$0x14A00] =	vst v63  }
0x13a: {  	_ =	swait.ge [sflag:s5], $0x5000  }
0x13b: {  	[sflag:s5] =	ssyncset.done $0x0  }
0x13c: {  	[sflag:s5] =	ssyncadd.s32 $0xFFFFB000  }
0x13d: {  	_ =	swait.ge [sflag:s5], $0x5000  }
0x13e: {  	[sflag:s5] =	ssyncset.done $0x0  }
0x13f: {  	p1 =	sne.s32 s1, $0x1;
	[sflag:s5] =	ssyncadd.s32 $0xFFFFB000  }
.Ltmp2:
0x140: {  	_ =	swait.ge [sflag:s6], $0x5000;
	(pc) =	sbr.rel @p1 .LBB2_2-.Ltmp2, $4  }
0x141: {  	[sflag:s6] =	ssyncset.done $0x0  }
0x142: {  	[sflag:s6] =	ssyncadd.s32 $0xFFFFB000  }
0x143: {  	_ =	swait.ge [sflag:s6], $0x5000  }
0x144: {  	s1 =	sadd.s32 $0xFFFFFFFF, s1;
	s0 =	rddreg [dreg:$0x3];
	[sflag:s6] =	ssyncset.done $0x0  }
.LBB2_3:
0x145: {  	[sflag:s6] =	ssyncadd.s32 @p0 $0xFFFFB000  }
0x146: {  	[tilespmem:s28], [sflag:$0x5] =	stream.linear.gather [hbm4b:s0+s28], $0xA00, $0x38;
	[tilespmem:$0x14A00] =	vst v63  }
0x147: {  	_ =	swait.ge [sflag:s31], $0xA00  }
0x148: {  	[sflag:s31] =	ssyncset.done $0x0  }
0x149: {  	[sflag:s31] =	ssyncadd.s32 $0xFFFFF600  }
0x14a: {  	[tilespmem:s14], [sflag:$0x1] =	stream.indirect.gather [hbm4b:s2+s18], $0x40, s28, s18, $0xb8;
	[tilespmem:$0x14A00] =	vst v63  }
0x14b: {  	_ = 	snop  }
0x14c: {  	[tilespmem:s15], [sflag:$0x1] =	stream.indirect.gather [hbm4b:s9+s18], $0x40, s28, s18, $0xb8;
	[tilespmem:$0x14A00] =	vst v63  }
0x14d: {  	_ = 	snop  }
0x14e: {  	[tilespmem:s10], [sflag:$0x2] =	stream.indirect.gather [hbm4b:s2+s18], $0x40, s18, s18, $0xb8;
	[tilespmem:$0x14A00] =	vst v63  }
0x14f: {  	_ = 	snop  }
0x150: {  	[tilespmem:s11], [sflag:$0x2] =	stream.indirect.gather [hbm4b:s9+s18], $0x40, s18, s18, $0xb8;
	[tilespmem:$0x14A00] =	vst v63  }
0x151: {  	_ =	swait.ge [sflag:s17], $0x5000  }
0x152: {  	[sflag:s17] =	ssyncset.done $0x0  }
0x153: {  	[sflag:s17] =	ssyncadd.s32 $0xFFFFB000  }
0x154: {  	_ =	swait.ge [sflag:s17], $0x5000  }
0x155: {  	[sflag:s17] =	ssyncset.done $0x0  }
0x156: {  	[sflag:s17] =	ssyncadd.s32 $0xFFFFB000  }
0x157: {  	[hbm4b:s25+s12] =	stream.strided.scatter [tilespmem:s14], [sflag:$0x3], $0x5000, s13, s12, $0x38;
	[tilespmem:$0x14A00] =	vst v63  }
0x158: {  	s28 =	rddreg [dreg:$0x4]  }
0x159: {  	[hbm4b:s28+s12] =	stream.strided.scatter [tilespmem:s15], [sflag:$0x3], $0x5000, s13, s12, $0x38;
	[tilespmem:$0x14A00] =	vst v63  }
0x15a: {  	_ =	swait.ge [sflag:s5], $0x5000  }
0x15b: {  	[sflag:s5] =	ssyncset.done $0x0  }
0x15c: {  	[sflag:s5] =	ssyncadd.s32 $0xFFFFB000  }
0x15d: {  	_ =	swait.ge [sflag:s5], $0x5000  }
0x15e: {  	[sflag:s5] =	ssyncset.done $0x0  }
0x15f: {  	[sflag:s5] =	ssyncadd.s32 $0xFFFFB000  }
0x160: {  	[tilespmem:s14], [sflag:$0x1] =	stream.indirect.gather [hbm4b:s2+s18], $0x40, s30, s18, $0xb8;
	[tilespmem:$0x14A00] =	vst v63  }
0x161: {  	_ = 	snop  }
0x162: {  	[tilespmem:s15], [sflag:$0x1] =	stream.indirect.gather [hbm4b:s9+s18], $0x40, s30, s18, $0xb8;
	[tilespmem:$0x14A00] =	vst v63  }
0x163: {  	_ =	swait.ge [sflag:s16], $0x5000  }
0x164: {  	[sflag:s16] =	ssyncset.done $0x0  }
0x165: {  	[sflag:s16] =	ssyncadd.s32 $0xFFFFB000  }
0x166: {  	_ =	swait.ge [sflag:s16], $0x5000  }
0x167: {  	[sflag:s16] =	ssyncset.done $0x0  }
0x168: {  	s31 =	rddreg [dreg:$0x5];
	[sflag:s16] =	ssyncadd.s32 $0xFFFFB000  }
0x169: {  	[hbm4b:s31+s12] =	stream.strided.scatter [tilespmem:s10], [sflag:$0x4], $0x5000, s13, s12, $0x38;
	[tilespmem:$0x14A00] =	vst v63  }
0x16a: {  	s1 =	rddreg [dreg:$0x6]  }
0x16b: {  	[hbm4b:s1+s12] =	stream.strided.scatter [tilespmem:s11], [sflag:$0x4], $0x5000, s13, s12, $0x38;
	[tilespmem:$0x14A00] =	vst v63  }
0x16c: {  	_ =	swait.ge [sflag:s6], $0x5000  }
0x16d: {  	[sflag:s6] =	ssyncset.done $0x0  }
0x16e: {  	[sflag:s6] =	ssyncadd.s32 $0xFFFFB000  }
0x16f: {  	_ =	swait.ge [sflag:s6], $0x5000  }
0x170: {  	[sflag:s6] =	ssyncset.done $0x0  }
0x171: {  	[sflag:s6] =	ssyncadd.s32 $0xFFFFB000  }
0x172: {  	[tilespmem:s10], [sflag:$0x2] =	stream.indirect.gather [hbm4b:s2+s18], $0x40, s29, s18, $0xb8;
	[tilespmem:$0x14A00] =	vst v63  }
0x173: {  	_ = 	snop  }
0x174: {  	[tilespmem:s11], [sflag:$0x2] =	stream.indirect.gather [hbm4b:s9+s18], $0x40, s29, s18, $0xb8;
	[tilespmem:$0x14A00] =	vst v63  }
0x175: {  	_ =	swait.ge [sflag:s17], $0x5000  }
0x176: {  	[sflag:s17] =	ssyncset.done $0x0  }
0x177: {  	[sflag:s17] =	ssyncadd.s32 $0xFFFFB000  }
0x178: {  	_ =	swait.ge [sflag:s17], $0x5000  }
0x179: {  	[sflag:s17] =	ssyncset.done $0x0  }
0x17a: {  	s1 =	rddreg [dreg:$0x7];
	[sflag:s17] =	ssyncadd.s32 $0xFFFFB000  }
0x17b: {  	[hbm4b:s1+s12] =	stream.strided.scatter [tilespmem:s14], [sflag:$0x3], $0x5000, s13, s12, $0x38;
	[tilespmem:$0x14A00] =	vst v63  }
0x17c: {  	s25 =	rddreg [dreg:$0x8]  }
0x17d: {  	[hbm4b:s25+s12] =	stream.strided.scatter [tilespmem:s15], [sflag:$0x3], $0x5000, s13, s12, $0x38;
	[tilespmem:$0x14A00] =	vst v63  }
0x17e: {  	_ =	swait.ge [sflag:s5], $0x5000  }
0x17f: {  	[sflag:s5] =	ssyncset.done $0x0  }
0x180: {  	[sflag:s5] =	ssyncadd.s32 $0xFFFFB000  }
0x181: {  	_ =	swait.ge [sflag:s5], $0x5000  }
0x182: {  	[sflag:s5] =	ssyncset.done $0x0  }
0x183: {  	[sflag:s5] =	ssyncadd.s32 $0xFFFFB000  }
0x184: {  	[tilespmem:s14], [sflag:$0x1] =	stream.indirect.gather [hbm4b:s2+s18], $0x40, s26, s18, $0xb8;
	[tilespmem:$0x14A00] =	vst v63  }
0x185: {  	_ = 	snop  }
0x186: {  	[tilespmem:s15], [sflag:$0x1] =	stream.indirect.gather [hbm4b:s9+s18], $0x40, s26, s18, $0xb8;
	[tilespmem:$0x14A00] =	vst v63  }
0x187: {  	_ =	swait.ge [sflag:s16], $0x5000  }
0x188: {  	[sflag:s16] =	ssyncset.done $0x0  }
0x189: {  	[sflag:s16] =	ssyncadd.s32 $0xFFFFB000  }
0x18a: {  	_ =	swait.ge [sflag:s16], $0x5000  }
0x18b: {  	[sflag:s16] =	ssyncset.done $0x0  }
0x18c: {  	s28 =	rddreg [dreg:$0x9];
	[sflag:s16] =	ssyncadd.s32 $0xFFFFB000  }
0x18d: {  	[hbm4b:s28+s12] =	stream.strided.scatter [tilespmem:s10], [sflag:$0x4], $0x5000, s13, s12, $0x38;
	[tilespmem:$0x14A00] =	vst v63  }
0x18e: {  	s29 =	rddreg [dreg:$0xa]  }
0x18f: {  	[hbm4b:s29+s12] =	stream.strided.scatter [tilespmem:s11], [sflag:$0x4], $0x5000, s13, s12, $0x38;
	[tilespmem:$0x14A00] =	vst v63  }
0x190: {  	_ =	swait.ge [sflag:s6], $0x5000  }
0x191: {  	[sflag:s6] =	ssyncset.done $0x0  }
0x192: {  	[sflag:s6] =	ssyncadd.s32 $0xFFFFB000  }
0x193: {  	_ =	swait.ge [sflag:s6], $0x5000  }
0x194: {  	[sflag:s6] =	ssyncset.done $0x0  }
0x195: {  	[sflag:s6] =	ssyncadd.s32 $0xFFFFB000  }
0x196: {  	[tilespmem:s10], [sflag:$0x2] =	stream.indirect.gather [hbm4b:s2+s18], $0x40, s24, s18, $0xb8;
	[tilespmem:$0x14A00] =	vst v63  }
0x197: {  	_ = 	snop  }
0x198: {  	[tilespmem:s11], [sflag:$0x2] =	stream.indirect.gather [hbm4b:s9+s18], $0x40, s24, s18, $0xb8;
	[tilespmem:$0x14A00] =	vst v63  }
0x199: {  	_ =	swait.ge [sflag:s17], $0x5000  }
0x19a: {  	[sflag:s17] =	ssyncset.done $0x0  }
0x19b: {  	[sflag:s17] =	ssyncadd.s32 $0xFFFFB000  }
0x19c: {  	_ =	swait.ge [sflag:s17], $0x5000  }
0x19d: {  	[sflag:s17] =	ssyncset.done $0x0  }
0x19e: {  	s30 =	rddreg [dreg:$0xb];
	[sflag:s17] =	ssyncadd.s32 $0xFFFFB000  }
0x19f: {  	[hbm4b:s30+s12] =	stream.strided.scatter [tilespmem:s14], [sflag:$0x3], $0x5000, s13, s12, $0x38;
	[tilespmem:$0x14A00] =	vst v63  }
0x1a0: {  	_ = 	snop  }
0x1a1: {  	[hbm4b:s21+s12] =	stream.strided.scatter [tilespmem:s15], [sflag:$0x3], $0x5000, s13, s12, $0x38;
	[tilespmem:$0x14A00] =	vst v63  }
0x1a2: {  	_ =	swait.ge [sflag:s5], $0x5000  }
0x1a3: {  	[sflag:s5] =	ssyncset.done $0x0  }
0x1a4: {  	[sflag:s5] =	ssyncadd.s32 $0xFFFFB000  }
0x1a5: {  	_ =	swait.ge [sflag:s5], $0x5000  }
0x1a6: {  	[sflag:s5] =	ssyncset.done $0x0  }
0x1a7: {  	[sflag:s5] =	ssyncadd.s32 $0xFFFFB000  }
0x1a8: {  	[tilespmem:s14], [sflag:$0x1] =	stream.indirect.gather [hbm4b:s2+s18], $0x40, s23, s18, $0xb8;
	[tilespmem:$0x14A00] =	vst v63  }
0x1a9: {  	_ = 	snop  }
0x1aa: {  	[tilespmem:s15], [sflag:$0x1] =	stream.indirect.gather [hbm4b:s9+s18], $0x40, s23, s18, $0xb8;
	[tilespmem:$0x14A00] =	vst v63  }
0x1ab: {  	_ =	swait.ge [sflag:s16], $0x5000  }
0x1ac: {  	[sflag:s16] =	ssyncset.done $0x0  }
0x1ad: {  	[sflag:s16] =	ssyncadd.s32 $0xFFFFB000  }
0x1ae: {  	_ =	swait.ge [sflag:s16], $0x5000  }
0x1af: {  	[sflag:s16] =	ssyncset.done $0x0  }
0x1b0: {  	[sflag:s16] =	ssyncadd.s32 $0xFFFFB000  }
0x1b1: {  	[hbm4b:s19+s12] =	stream.strided.scatter [tilespmem:s10], [sflag:$0x4], $0x5000, s13, s12, $0x38;
	[tilespmem:$0x14A00] =	vst v63  }
0x1b2: {  	_ = 	snop  }
0x1b3: {  	[hbm4b:s20+s12] =	stream.strided.scatter [tilespmem:s11], [sflag:$0x4], $0x5000, s13, s12, $0x38;
	[tilespmem:$0x14A00] =	vst v63  }
0x1b4: {  	_ =	swait.ge [sflag:s6], $0x5000  }
0x1b5: {  	[sflag:s6] =	ssyncset.done $0x0  }
0x1b6: {  	[sflag:s6] =	ssyncadd.s32 $0xFFFFB000  }
0x1b7: {  	_ =	swait.ge [sflag:s6], $0x5000  }
0x1b8: {  	[sflag:s6] =	ssyncset.done $0x0  }
0x1b9: {  	[sflag:s6] =	ssyncadd.s32 $0xFFFFB000  }
0x1ba: {  	[tilespmem:s10], [sflag:$0x2] =	stream.indirect.gather [hbm4b:s2+s18], $0x40, s22, s18, $0xb8;
	[tilespmem:$0x14A00] =	vst v63  }
0x1bb: {  	_ = 	snop  }
0x1bc: {  	[tilespmem:s11], [sflag:$0x2] =	stream.indirect.gather [hbm4b:s9+s18], $0x40, s22, s18, $0xb8;
	[tilespmem:$0x14A00] =	vst v63  }
0x1bd: {  	_ =	swait.ge [sflag:s17], $0x5000  }
0x1be: {  	[sflag:s17] =	ssyncset.done $0x0  }
0x1bf: {  	[sflag:s17] =	ssyncadd.s32 $0xFFFFB000  }
0x1c0: {  	_ =	swait.ge [sflag:s17], $0x5000  }
0x1c1: {  	[sflag:s17] =	ssyncset.done $0x0  }
0x1c2: {  	[sflag:s17] =	ssyncadd.s32 $0xFFFFB000  }
0x1c3: {  	[hbm4b:s7+s12] =	stream.strided.scatter [tilespmem:s14], [sflag:$0x3], $0x5000, s13, s12, $0x38;
	[tilespmem:$0x14A00] =	vst v63  }
0x1c4: {  	_ = 	snop  }
0x1c5: {  	[hbm4b:s8+s12] =	stream.strided.scatter [tilespmem:s15], [sflag:$0x3], $0x5000, s13, s12, $0x38;
	[tilespmem:$0x14A00] =	vst v63  }
0x1c6: {  	_ =	swait.ge [sflag:s16], $0x5000  }
0x1c7: {  	[sflag:s16] =	ssyncset.done $0x0  }
0x1c8: {  	[sflag:s16] =	ssyncadd.s32 $0xFFFFB000  }
0x1c9: {  	_ =	swait.ge [sflag:s16], $0x5000  }
0x1ca: {  	[sflag:s16] =	ssyncset.done $0x0  }
0x1cb: {  	[sflag:s16] =	ssyncadd.s32 $0xFFFFB000  }
0x1cc: {  	[hbm4b:s3+s12] =	stream.strided.scatter [tilespmem:s10], [sflag:$0x4], $0x5000, s13, s12, $0x38;
	[tilespmem:$0x14A00] =	vst v63  }
0x1cd: {  	_ = 	snop  }
0x1ce: {  	[hbm4b:s4+s12] =	stream.strided.scatter [tilespmem:s11], [sflag:$0x4], $0x5000, s13, s12, $0x38;
	[tilespmem:$0x14A00] =	vst v63  }
0x1cf: {  	_ =	swait.ge [sflag:s5], $0x5000  }
0x1d0: {  	[sflag:s5] =	ssyncset.done $0x0  }
0x1d1: {  	[sflag:s5] =	ssyncadd.s32 $0xFFFFB000  }
0x1d2: {  	_ =	swait.ge [sflag:s5], $0x5000  }
0x1d3: {  	[sflag:s5] =	ssyncset.done $0x0  }
0x1d4: {  	[sflag:s5] =	ssyncadd.s32 $0xFFFFB000  }
0x1d5: {  	_ =	swait.ge [sflag:s6], $0x5000  }
0x1d6: {  	[sflag:s6] =	ssyncset.done $0x0  }
0x1d7: {  	[sflag:s6] =	ssyncadd.s32 $0xFFFFB000  }
0x1d8: {  	_ =	swait.ge [sflag:s6], $0x5000  }
0x1d9: {  	[sflag:s6] =	ssyncset.done $0x0  }
0x1da: {  	[sflag:s6] =	ssyncadd.s32 $0xFFFFB000  }
0x1db: {  	_ =	sfence.sel $0x180000  }
0x1dc: {  	[bflag:$0x0] =	sbarrier.arrive $0xFFFF  }
0x1dd: {  	_ =	strace $0x90000047  }
0x1de: {  	s31 =	stileid.u32;
	[bflag:$0x2] =	sbarrier.arrive $0xFFFF  }
0x1df: {  	p0 =	sne.s32 s31, $0x0;
	s0 =	rddreg [dreg:$0x2]  }
0x1e0: {  	s0 =	sadd.s32 @!p0 $0x100000, s0  }
0x1e1: {  	[sflag:s0] =	ssyncadd.tile.s32 @!p0 $0x1;
	_ =	shalt  }
.Lfunc_end2:
_tile_overlayer_lowered:
.L_overlay_start_2:
0x1e2: {  	(tag) =	ssettag $0x2  }
0x1e3: {  	s0 =	rddreg [dreg:$0x0];
	s2 =	stileid.u32  }
0x1e4: {  	s1 =	rddreg [dreg:$0x1];
	p0 =	sne.s32 s2, $0x0  }
0x1e5: {  	s3 =	rddreg [dreg:$0x2];
	[bflag:$0x3] =	sbarrier.arrive $0xFFFF;
	s2 =	simm.s32 @!p0 $0x1C05  }
0x1e6: {  	[timem:s3], [sflag:s2] =	dma.local @!p0 [hbm:s0], s1  }
0x1e7: {  	s0 =	simm.s32 @!p0 $0x5  }
0x1e8: {  	_ =	swait.ge @!p0 [sflag:s0], s1  }
0x1e9: {  	s1 =	ssub.s32 @!p0 $0x0, s1;
	[sflag:s0] =	ssyncset.done @!p0 $0x0  }
0x1ea: {  	[sflag:s0] =	ssyncadd.s32 @!p0 s1  }
0x1eb: {  	[bflag:$0x3] =	sbarrier.arrive $0xFFFF  }
0x1ec: {  	_ =	shalt  }

</sc_bundles>
